<compile_context>
chip_gen: v7x
topology: tpu7x:2x2x1
jax: 0.10.2.dev20260603
libtpu: 0.0.44.dev20260713+nightly
codegen_flags: <defaults>
</compile_context>

<pallas_src>
import functools

import jax
import jax.numpy as jnp
from jax import lax
from jax.experimental import pallas as pl
from jax.experimental.pallas import tpu as pltpu
from jax.experimental.pallas import tpu_sc as plsc

EMBED_DIM = 64
NUM_CORES = 2
NUM_SUBCORES = 16
NUM_WORKERS = NUM_CORES * NUM_SUBCORES
CHUNK = 640
GATHER_W = 128
GATHERS = CHUNK // GATHER_W


def _emb_body(n_chunks, table_hbm, idx_hbm, out_hbm,
              table_sh, idx_v, rows_v, g_sems, w_sems):
    sid = lax.axis_index("s")
    wid = sid * NUM_CORES + lax.axis_index("c")
    base = wid * (n_chunks * CHUNK)
    idx_rows = n_chunks * GATHERS

    @pl.when(sid == 0)
    def _stage_table():
        pltpu.sync_copy(table_hbm, table_sh)

    pltpu.sync_copy(idx_hbm.at[pl.ds(wid * idx_rows, idx_rows)], idx_v)
    plsc.subcore_barrier()

    def fire_gathers(buf, chunk_id):
        row0 = chunk_id * GATHERS
        return [
            pltpu.async_copy(
                table_sh.at[idx_v.at[row0 + j]],
                rows_v.at[buf].at[pl.ds(j * GATHER_W, GATHER_W)],
                g_sems.at[buf],
            )
            for j in range(GATHERS)
        ]

    def start_write(buf, chunk_id):
        off = base + chunk_id * CHUNK
        return pltpu.async_copy(rows_v.at[buf], out_hbm.at[pl.ds(off, CHUNK)],
                                w_sems.at[buf])

    def wait_gathers(buf):
        for _ in range(GATHERS):
            pltpu.make_async_copy(
                table_sh.at[idx_v.at[0]],
                rows_v.at[buf].at[pl.ds(0, GATHER_W)],
                g_sems.at[buf],
            ).wait()

    def wait_write(buf):
        pltpu.make_async_copy(rows_v.at[buf], out_hbm.at[pl.ds(base, CHUNK)],
                              w_sems.at[buf]).wait()

    fire_gathers(0, 0)
    fire_gathers(1, 1)
    wait_gathers(0)
    start_write(0, 0)
    wait_gathers(1)
    start_write(1, 1)

    def step(u, carry):
        c0 = 2 * u
        wait_write(0)
        fire_gathers(0, c0)
        wait_write(1)
        fire_gathers(1, c0 + 1)
        wait_gathers(0)
        start_write(0, c0)
        wait_gathers(1)
        start_write(1, c0 + 1)
        return carry

    lax.fori_loop(1, n_chunks // 2, step, 0)
    wait_write(0)
    wait_write(1)


@functools.partial(jax.jit, static_argnames=("n_total",))
def _embed_flat(idx2d, table, n_total):
    n_chunks = n_total // (NUM_WORKERS * CHUNK)
    mesh = plsc.VectorSubcoreMesh(core_axis_name="c", subcore_axis_name="s")
    k = pl.kernel(
        functools.partial(_emb_body, n_chunks),
        mesh=mesh,
        out_type=jax.ShapeDtypeStruct((n_total, EMBED_DIM), jnp.float32),
        scratch_types=[
            pltpu.VMEM_SHARED((128, EMBED_DIM), jnp.float32),
            pltpu.VMEM((n_chunks * GATHERS, GATHER_W), jnp.int32),
            pltpu.VMEM((2, CHUNK, EMBED_DIM), jnp.float32),
            pltpu.SemaphoreType.DMA((2,)),
            pltpu.SemaphoreType.DMA((2,)),
        ],
        compiler_params=pltpu.CompilerParams(use_tc_tiling_on_sc=False),
    )
    return k(table, idx2d)


VOCAB = 128


def _tc_body(idx_ref, hi_ref, lo_ref, out_ref):
    br, t = idx_ref.shape
    idx = idx_ref[...]
    iota_v = lax.broadcasted_iota(jnp.int32, (br, t, VOCAB), 2)
    oh = (idx[:, :, None] == iota_v).astype(jnp.bfloat16)
    oh2 = oh.reshape(br * t, VOCAB)
    res = lax.dot_general(
        oh2, hi_ref[...],
        dimension_numbers=(((1,), (0,)), ((), ())),
        preferred_element_type=jnp.float32,
    ) + lax.dot_general(
        oh2, lo_ref[...],
        dimension_numbers=(((1,), (0,)), ((), ())),
        preferred_element_type=jnp.float32,
    )
    out_ref[...] = res.reshape(br, t, EMBED_DIM)


def _tc_embed(inputs, table_hi, table_lo, br=64):
    b, t = inputs.shape
    grid = b // br
    return pl.pallas_call(
        _tc_body,
        grid=(grid,),
        in_specs=[
            pl.BlockSpec((br, t), lambda i: (i, 0)),
            pl.BlockSpec((VOCAB, EMBED_DIM), lambda i: (0, 0)),
            pl.BlockSpec((VOCAB, EMBED_DIM), lambda i: (0, 0)),
        ],
        out_specs=pl.BlockSpec((br, t, EMBED_DIM), lambda i: (i, 0, 0)),
        out_shape=jax.ShapeDtypeStruct((b, t, EMBED_DIM), jnp.float32),
    )(inputs, table_hi, table_lo)


def kernel(inputs, table):
    table_hi = table.astype(jnp.bfloat16)
    table_lo = (table - table_hi.astype(jnp.float32)).astype(jnp.bfloat16)
    split = 2048
    n_sc = split * 200
    sc_out = _embed_flat(inputs[:split].reshape(n_sc // GATHER_W, GATHER_W),
                         table, n_sc)
    tc_out = _tc_embed(inputs[split:], table_hi, table_lo)
    return (sc_out, tc_out)

# --- scband reference (transcript-rebuilt; emitter-appended) ---
"""Pipeline reference for scband-embedding-48189533061438 (READ-ONLY COPY).

The authoritative reference and input builder live on the scoring server;
editing this copy changes nothing except your own understanding.
"""

import jax, jax.numpy as jnp
import numpy as np

VOCAB = 128
EMBED_DIM = 64
BATCH = 4096
MAX_LENGTH = 200
PAD_IDX = 0


def setup_inputs(seed: int = 0) -> dict:
    key = jax.random.key(seed)
    k1, k2 = jax.random.split(key)
    inputs = jax.random.randint(k1, (BATCH, MAX_LENGTH), 0, VOCAB, dtype=jnp.int32)
    # Embedding table, N(0,1) init like nn.Embedding; padding_idx row zeroed.
    table = jax.random.normal(k2, (VOCAB, EMBED_DIM), dtype=jnp.float32)
    table = table.at[PAD_IDX].set(0.0)
    return {"inputs": inputs, "table": table}


def reference(inputs, table):
    # Faithful to nn.Embedding forward: pure gather (row PAD_IDX is zero by init).
    return jnp.take(table, inputs, axis=0)

if __name__ == "__main__":
    import jax
    _d = setup_inputs()
    print(jax.jit(kernel)(*tuple(_d.values())))

</pallas_src>

<mosaic_0001>
#map = affine_map<(d0, d1) -> (0, 0)>
module attributes {stable_mosaic.version = 14 : i64} {
  func.func @_emb_body(%arg0: i32, %arg1: i32, %arg2: memref<128x64xf32, #tpu.memory_space<hbm>>, %arg3: memref<3200x128xi32, #tpu.memory_space<hbm>>, %arg4: memref<409600x64xf32, #tpu.memory_space<hbm>>, %arg5: memref<128x64xf32, #tpu.memory_space<vmem_shared>>, %arg6: memref<100x128xi32, #tpu.memory_space<vmem>>, %arg7: memref<2x640x64xf32, #tpu.memory_space<vmem>>, %arg8: memref<2x!tpu.dma_semaphore, #tpu.memory_space<semaphore_mem>>, %arg9: memref<2x!tpu.dma_semaphore, #tpu.memory_space<semaphore_mem>>) attributes {dimension_semantics = [#tpu.dimension_semantics<core_parallel>, #tpu.dimension_semantics<subcore_parallel>], iteration_bounds = array<i64: 2, 16>, scalar_prefetch = 0 : i64, scratch_operands = 5 : i64, tpu.core_type = #tpu.core_type<sc_vector_subcore>, window_params = [{transform_indices = #map}, {transform_indices = #map}, {transform_indices = #map}]} {
    %mul3A = arith.constant 2 : i32
    %mul3A_0 = arith.muli %arg1, %mul3A : i32
    %add3A = arith.addi %mul3A_0, %arg0 : i32
    %mul3A_1 = arith.constant 12800 : i32
    %mul3A_2 = arith.muli %add3A, %mul3A_1 : i32
    %eq3A = arith.constant 0 : i32
    %eq3A_3 = arith.cmpi eq, %arg1, %eq3A : i32
    %convert_element_type3A = arith.extui %eq3A_3 : i1 to i32
    %cond3A = arith.constant 0 : i32
    %cond3A_4 = arith.cmpi ne, %convert_element_type3A, %cond3A : i32
    scf.if %cond3A_4 {
      "tpu.region"() ({
        %run_scoped3A = tpu.sem_alloc : memref<!tpu.dma_semaphore, #tpu.memory_space<semaphore_mem>>
        tpu.enqueue_dma source(%arg2 : memref<128x64xf32, #tpu.memory_space<hbm>>) target(%arg5 : memref<128x64xf32, #tpu.memory_space<vmem_shared>>) target_semaphore(%run_scoped3A : memref<!tpu.dma_semaphore, #tpu.memory_space<semaphore_mem>>)
        tpu.wait_dma2 semaphore(%run_scoped3A : memref<!tpu.dma_semaphore, #tpu.memory_space<semaphore_mem>>) src(%arg2 : memref<128x64xf32, #tpu.memory_space<hbm>>) dst(%arg5 : memref<128x64xf32, #tpu.memory_space<vmem_shared>>)
        tpu.yield
      }) : () -> ()
    } else {
    }
    %mul3A_5 = arith.constant 100 : i32
    %mul3A_6 = arith.muli %add3A, %mul3A_5 : i32
    "tpu.region"() ({
      %run_scoped3A = tpu.sem_alloc : memref<!tpu.dma_semaphore, #tpu.memory_space<semaphore_mem>>
      %dma_start3A_438 = arith.constant 0 : i32
      %dma_start3A_439 = tpu.memref_slice %arg3[%mul3A_6, %dma_start3A_438] : memref<3200x128xi32, #tpu.memory_space<hbm>> -> memref<100x128xi32, #tpu.memory_space<hbm>>
      %dma_start3A_440 = arith.constant 0 : i32
      %dma_start3A_441 = tpu.memref_slice %arg3[%mul3A_6, %dma_start3A_440] : memref<3200x128xi32, #tpu.memory_space<hbm>> -> memref<100x128xi32, #tpu.memory_space<hbm>>
      tpu.enqueue_dma source(%dma_start3A_441 : memref<100x128xi32, #tpu.memory_space<hbm>>) target(%arg6 : memref<100x128xi32, #tpu.memory_space<vmem>>) target_semaphore(%run_scoped3A : memref<!tpu.dma_semaphore, #tpu.memory_space<semaphore_mem>>)
      %dma_wait3A_442 = arith.constant 0 : i32
      %dma_wait3A_443 = tpu.memref_slice %arg3[%mul3A_6, %dma_wait3A_442] : memref<3200x128xi32, #tpu.memory_space<hbm>> -> memref<100x128xi32, #tpu.memory_space<hbm>>
      %dma_wait3A_444 = arith.constant 0 : i32
      %dma_wait3A_445 = tpu.memref_slice %arg3[%mul3A_6, %dma_wait3A_444] : memref<3200x128xi32, #tpu.memory_space<hbm>> -> memref<100x128xi32, #tpu.memory_space<hbm>>
      tpu.wait_dma2 semaphore(%run_scoped3A : memref<!tpu.dma_semaphore, #tpu.memory_space<semaphore_mem>>) src(%dma_wait3A_445 : memref<100x128xi32, #tpu.memory_space<hbm>>) dst(%arg6 : memref<100x128xi32, #tpu.memory_space<vmem>>)
      tpu.yield
    }) : () -> ()
    %barrier3A = arith.constant 0 : index
    tpu.barrier barrier_id(%barrier3A)
    %dma_start3A = arith.constant 0 : i32
    %dma_start3A_7 = arith.constant 0 : i32
    %dma_start3A_8 = arith.constant 0 : i32
    %dma_start3A_9 = arith.constant 0 : i32
    %dma_start3A_10 = arith.constant 0 : i32
    %dma_start3A_11 = tpu.memref_slice %arg7[%dma_start3A_7, %dma_start3A_9, %dma_start3A_10] : memref<2x640x64xf32, #tpu.memory_space<vmem>> -> memref<1x640x64xf32, #tpu.memory_space<vmem>>
    %dma_start3A_12 = tpu.memref_squeeze %dma_start3A_11 : memref<1x640x64xf32, #tpu.memory_space<vmem>> -> memref<640x64xf32, #tpu.memory_space<vmem>>
    %dma_start3A_13 = arith.constant 0 : i32
    %dma_start3A_14 = arith.constant 0 : i32
    %dma_start3A_15 = tpu.memref_slice %dma_start3A_12[%dma_start3A_13, %dma_start3A_14] : memref<640x64xf32, #tpu.memory_space<vmem>> -> memref<128x64xf32, #tpu.memory_space<vmem>>
    %dma_start3A_16 = arith.constant 0 : i32
    %dma_start3A_17 = tpu.memref_slice %arg6[%dma_start3A, %dma_start3A_16] : memref<100x128xi32, #tpu.memory_space<vmem>> -> memref<1x128xi32, #tpu.memory_space<vmem>>
    %dma_start3A_18 = tpu.memref_squeeze %dma_start3A_17 : memref<1x128xi32, #tpu.memory_space<vmem>> -> memref<128xi32, #tpu.memory_space<vmem>>
    %dma_start3A_19 = arith.constant 0 : i32
    %dma_start3A_20 = arith.constant 0 : i32
    %dma_start3A_21 = tpu.memref_slice %arg5[%dma_start3A_19, %dma_start3A_20] : memref<128x64xf32, #tpu.memory_space<vmem_shared>> -> memref<128x64xf32, #tpu.memory_space<vmem_shared>>
    %dma_start3A_22 = tpu.memref_slice %arg8[%dma_start3A_8] : memref<2x!tpu.dma_semaphore, #tpu.memory_space<semaphore_mem>> -> memref<1x!tpu.dma_semaphore, #tpu.memory_space<semaphore_mem>>
    %dma_start3A_23 = tpu.memref_squeeze %dma_start3A_22 : memref<1x!tpu.dma_semaphore, #tpu.memory_space<semaphore_mem>> -> memref<!tpu.dma_semaphore, #tpu.memory_space<semaphore_mem>>
    tpu.enqueue_indirect_dma source(%dma_start3A_21 : memref<128x64xf32, #tpu.memory_space<vmem_shared>>) target(%dma_start3A_15 : memref<128x64xf32, #tpu.memory_space<vmem>>) offsets(%dma_start3A_18 : memref<128xi32, #tpu.memory_space<vmem>>) semaphore(%dma_start3A_23 : memref<!tpu.dma_semaphore, #tpu.memory_space<semaphore_mem>>)
    %dma_start3A_24 = arith.constant 1 : i32
    %dma_start3A_25 = arith.constant 0 : i32
    %dma_start3A_26 = arith.constant 0 : i32
    %dma_start3A_27 = arith.constant 0 : i32
    %dma_start3A_28 = arith.constant 0 : i32
    %dma_start3A_29 = tpu.memref_slice %arg7[%dma_start3A_25, %dma_start3A_27, %dma_start3A_28] : memref<2x640x64xf32, #tpu.memory_space<vmem>> -> memref<1x640x64xf32, #tpu.memory_space<vmem>>
    %dma_start3A_30 = tpu.memref_squeeze %dma_start3A_29 : memref<1x640x64xf32, #tpu.memory_space<vmem>> -> memref<640x64xf32, #tpu.memory_space<vmem>>
    %dma_start3A_31 = arith.constant 128 : i32
    %dma_start3A_32 = arith.constant 0 : i32
    %dma_start3A_33 = tpu.memref_slice %dma_start3A_30[%dma_start3A_31, %dma_start3A_32] : memref<640x64xf32, #tpu.memory_space<vmem>> -> memref<128x64xf32, #tpu.memory_space<vmem>>
    %dma_start3A_34 = arith.constant 0 : i32
    %dma_start3A_35 = tpu.memref_slice %arg6[%dma_start3A_24, %dma_start3A_34] : memref<100x128xi32, #tpu.memory_space<vmem>> -> memref<1x128xi32, #tpu.memory_space<vmem>>
    %dma_start3A_36 = tpu.memref_squeeze %dma_start3A_35 : memref<1x128xi32, #tpu.memory_space<vmem>> -> memref<128xi32, #tpu.memory_space<vmem>>
    %dma_start3A_37 = arith.constant 0 : i32
    %dma_start3A_38 = arith.constant 0 : i32
    %dma_start3A_39 = tpu.memref_slice %arg5[%dma_start3A_37, %dma_start3A_38] : memref<128x64xf32, #tpu.memory_space<vmem_shared>> -> memref<128x64xf32, #tpu.memory_space<vmem_shared>>
    %dma_start3A_40 = tpu.memref_slice %arg8[%dma_start3A_26] : memref<2x!tpu.dma_semaphore, #tpu.memory_space<semaphore_mem>> -> memref<1x!tpu.dma_semaphore, #tpu.memory_space<semaphore_mem>>
    %dma_start3A_41 = tpu.memref_squeeze %dma_start3A_40 : memref<1x!tpu.dma_semaphore, #tpu.memory_space<semaphore_mem>> -> memref<!tpu.dma_semaphore, #tpu.memory_space<semaphore_mem>>
    tpu.enqueue_indirect_dma source(%dma_start3A_39 : memref<128x64xf32, #tpu.memory_space<vmem_shared>>) target(%dma_start3A_33 : memref<128x64xf32, #tpu.memory_space<vmem>>) offsets(%dma_start3A_36 : memref<128xi32, #tpu.memory_space<vmem>>) semaphore(%dma_start3A_41 : memref<!tpu.dma_semaphore, #tpu.memory_space<semaphore_mem>>)
    %dma_start3A_42 = arith.constant 2 : i32
    %dma_start3A_43 = arith.constant 0 : i32
    %dma_start3A_44 = arith.constant 0 : i32
    %dma_start3A_45 = arith.constant 0 : i32
    %dma_start3A_46 = arith.constant 0 : i32
    %dma_start3A_47 = tpu.memref_slice %arg7[%dma_start3A_43, %dma_start3A_45, %dma_start3A_46] : memref<2x640x64xf32, #tpu.memory_space<vmem>> -> memref<1x640x64xf32, #tpu.memory_space<vmem>>
    %dma_start3A_48 = tpu.memref_squeeze %dma_start3A_47 : memref<1x640x64xf32, #tpu.memory_space<vmem>> -> memref<640x64xf32, #tpu.memory_space<vmem>>
    %dma_start3A_49 = arith.constant 256 : i32
    %dma_start3A_50 = arith.constant 0 : i32
    %dma_start3A_51 = tpu.memref_slice %dma_start3A_48[%dma_start3A_49, %dma_start3A_50] : memref<640x64xf32, #tpu.memory_space<vmem>> -> memref<128x64xf32, #tpu.memory_space<vmem>>
    %dma_start3A_52 = arith.constant 0 : i32
    %dma_start3A_53 = tpu.memref_slice %arg6[%dma_start3A_42, %dma_start3A_52] : memref<100x128xi32, #tpu.memory_space<vmem>> -> memref<1x128xi32, #tpu.memory_space<vmem>>
    %dma_start3A_54 = tpu.memref_squeeze %dma_start3A_53 : memref<1x128xi32, #tpu.memory_space<vmem>> -> memref<128xi32, #tpu.memory_space<vmem>>
    %dma_start3A_55 = arith.constant 0 : i32
    %dma_start3A_56 = arith.constant 0 : i32
    %dma_start3A_57 = tpu.memref_slice %arg5[%dma_start3A_55, %dma_start3A_56] : memref<128x64xf32, #tpu.memory_space<vmem_shared>> -> memref<128x64xf32, #tpu.memory_space<vmem_shared>>
    %dma_start3A_58 = tpu.memref_slice %arg8[%dma_start3A_44] : memref<2x!tpu.dma_semaphore, #tpu.memory_space<semaphore_mem>> -> memref<1x!tpu.dma_semaphore, #tpu.memory_space<semaphore_mem>>
    %dma_start3A_59 = tpu.memref_squeeze %dma_start3A_58 : memref<1x!tpu.dma_semaphore, #tpu.memory_space<semaphore_mem>> -> memref<!tpu.dma_semaphore, #tpu.memory_space<semaphore_mem>>
    tpu.enqueue_indirect_dma source(%dma_start3A_57 : memref<128x64xf32, #tpu.memory_space<vmem_shared>>) target(%dma_start3A_51 : memref<128x64xf32, #tpu.memory_space<vmem>>) offsets(%dma_start3A_54 : memref<128xi32, #tpu.memory_space<vmem>>) semaphore(%dma_start3A_59 : memref<!tpu.dma_semaphore, #tpu.memory_space<semaphore_mem>>)
    %dma_start3A_60 = arith.constant 3 : i32
    %dma_start3A_61 = arith.constant 0 : i32
    %dma_start3A_62 = arith.constant 0 : i32
    %dma_start3A_63 = arith.constant 0 : i32
    %dma_start3A_64 = arith.constant 0 : i32
    %dma_start3A_65 = tpu.memref_slice %arg7[%dma_start3A_61, %dma_start3A_63, %dma_start3A_64] : memref<2x640x64xf32, #tpu.memory_space<vmem>> -> memref<1x640x64xf32, #tpu.memory_space<vmem>>
    %dma_start3A_66 = tpu.memref_squeeze %dma_start3A_65 : memref<1x640x64xf32, #tpu.memory_space<vmem>> -> memref<640x64xf32, #tpu.memory_space<vmem>>
    %dma_start3A_67 = arith.constant 384 : i32
    %dma_start3A_68 = arith.constant 0 : i32
    %dma_start3A_69 = tpu.memref_slice %dma_start3A_66[%dma_start3A_67, %dma_start3A_68] : memref<640x64xf32, #tpu.memory_space<vmem>> -> memref<128x64xf32, #tpu.memory_space<vmem>>
    %dma_start3A_70 = arith.constant 0 : i32
    %dma_start3A_71 = tpu.memref_slice %arg6[%dma_start3A_60, %dma_start3A_70] : memref<100x128xi32, #tpu.memory_space<vmem>> -> memref<1x128xi32, #tpu.memory_space<vmem>>
    %dma_start3A_72 = tpu.memref_squeeze %dma_start3A_71 : memref<1x128xi32, #tpu.memory_space<vmem>> -> memref<128xi32, #tpu.memory_space<vmem>>
    %dma_start3A_73 = arith.constant 0 : i32
    %dma_start3A_74 = arith.constant 0 : i32
    %dma_start3A_75 = tpu.memref_slice %arg5[%dma_start3A_73, %dma_start3A_74] : memref<128x64xf32, #tpu.memory_space<vmem_shared>> -> memref<128x64xf32, #tpu.memory_space<vmem_shared>>
    %dma_start3A_76 = tpu.memref_slice %arg8[%dma_start3A_62] : memref<2x!tpu.dma_semaphore, #tpu.memory_space<semaphore_mem>> -> memref<1x!tpu.dma_semaphore, #tpu.memory_space<semaphore_mem>>
    %dma_start3A_77 = tpu.memref_squeeze %dma_start3A_76 : memref<1x!tpu.dma_semaphore, #tpu.memory_space<semaphore_mem>> -> memref<!tpu.dma_semaphore, #tpu.memory_space<semaphore_mem>>
    tpu.enqueue_indirect_dma source(%dma_start3A_75 : memref<128x64xf32, #tpu.memory_space<vmem_shared>>) target(%dma_start3A_69 : memref<128x64xf32, #tpu.memory_space<vmem>>) offsets(%dma_start3A_72 : memref<128xi32, #tpu.memory_space<vmem>>) semaphore(%dma_start3A_77 : memref<!tpu.dma_semaphore, #tpu.memory_space<semaphore_mem>>)
    %dma_start3A_78 = arith.constant 4 : i32
    %dma_start3A_79 = arith.constant 0 : i32
    %dma_start3A_80 = arith.constant 0 : i32
    %dma_start3A_81 = arith.constant 0 : i32
    %dma_start3A_82 = arith.constant 0 : i32
    %dma_start3A_83 = tpu.memref_slice %arg7[%dma_start3A_79, %dma_start3A_81, %dma_start3A_82] : memref<2x640x64xf32, #tpu.memory_space<vmem>> -> memref<1x640x64xf32, #tpu.memory_space<vmem>>
    %dma_start3A_84 = tpu.memref_squeeze %dma_start3A_83 : memref<1x640x64xf32, #tpu.memory_space<vmem>> -> memref<640x64xf32, #tpu.memory_space<vmem>>
    %dma_start3A_85 = arith.constant 512 : i32
    %dma_start3A_86 = arith.constant 0 : i32
    %dma_start3A_87 = tpu.memref_slice %dma_start3A_84[%dma_start3A_85, %dma_start3A_86] : memref<640x64xf32, #tpu.memory_space<vmem>> -> memref<128x64xf32, #tpu.memory_space<vmem>>
    %dma_start3A_88 = arith.constant 0 : i32
    %dma_start3A_89 = tpu.memref_slice %arg6[%dma_start3A_78, %dma_start3A_88] : memref<100x128xi32, #tpu.memory_space<vmem>> -> memref<1x128xi32, #tpu.memory_space<vmem>>
    %dma_start3A_90 = tpu.memref_squeeze %dma_start3A_89 : memref<1x128xi32, #tpu.memory_space<vmem>> -> memref<128xi32, #tpu.memory_space<vmem>>
    %dma_start3A_91 = arith.constant 0 : i32
    %dma_start3A_92 = arith.constant 0 : i32
    %dma_start3A_93 = tpu.memref_slice %arg5[%dma_start3A_91, %dma_start3A_92] : memref<128x64xf32, #tpu.memory_space<vmem_shared>> -> memref<128x64xf32, #tpu.memory_space<vmem_shared>>
    %dma_start3A_94 = tpu.memref_slice %arg8[%dma_start3A_80] : memref<2x!tpu.dma_semaphore, #tpu.memory_space<semaphore_mem>> -> memref<1x!tpu.dma_semaphore, #tpu.memory_space<semaphore_mem>>
    %dma_start3A_95 = tpu.memref_squeeze %dma_start3A_94 : memref<1x!tpu.dma_semaphore, #tpu.memory_space<semaphore_mem>> -> memref<!tpu.dma_semaphore, #tpu.memory_space<semaphore_mem>>
    tpu.enqueue_indirect_dma source(%dma_start3A_93 : memref<128x64xf32, #tpu.memory_space<vmem_shared>>) target(%dma_start3A_87 : memref<128x64xf32, #tpu.memory_space<vmem>>) offsets(%dma_start3A_90 : memref<128xi32, #tpu.memory_space<vmem>>) semaphore(%dma_start3A_95 : memref<!tpu.dma_semaphore, #tpu.memory_space<semaphore_mem>>)
    %dma_start3A_96 = arith.constant 5 : i32
    %dma_start3A_97 = arith.constant 1 : i32
    %dma_start3A_98 = arith.constant 1 : i32
    %dma_start3A_99 = arith.constant 0 : i32
    %dma_start3A_100 = arith.constant 0 : i32
    %dma_start3A_101 = tpu.memref_slice %arg7[%dma_start3A_97, %dma_start3A_99, %dma_start3A_100] : memref<2x640x64xf32, #tpu.memory_space<vmem>> -> memref<1x640x64xf32, #tpu.memory_space<vmem>>
    %dma_start3A_102 = tpu.memref_squeeze %dma_start3A_101 : memref<1x640x64xf32, #tpu.memory_space<vmem>> -> memref<640x64xf32, #tpu.memory_space<vmem>>
    %dma_start3A_103 = arith.constant 0 : i32
    %dma_start3A_104 = arith.constant 0 : i32
    %dma_start3A_105 = tpu.memref_slice %dma_start3A_102[%dma_start3A_103, %dma_start3A_104] : memref<640x64xf32, #tpu.memory_space<vmem>> -> memref<128x64xf32, #tpu.memory_space<vmem>>
    %dma_start3A_106 = arith.constant 0 : i32
    %dma_start3A_107 = tpu.memref_slice %arg6[%dma_start3A_96, %dma_start3A_106] : memref<100x128xi32, #tpu.memory_space<vmem>> -> memref<1x128xi32, #tpu.memory_space<vmem>>
    %dma_start3A_108 = tpu.memref_squeeze %dma_start3A_107 : memref<1x128xi32, #tpu.memory_space<vmem>> -> memref<128xi32, #tpu.memory_space<vmem>>
    %dma_start3A_109 = arith.constant 0 : i32
    %dma_start3A_110 = arith.constant 0 : i32
    %dma_start3A_111 = tpu.memref_slice %arg5[%dma_start3A_109, %dma_start3A_110] : memref<128x64xf32, #tpu.memory_space<vmem_shared>> -> memref<128x64xf32, #tpu.memory_space<vmem_shared>>
    %dma_start3A_112 = tpu.memref_slice %arg8[%dma_start3A_98] : memref<2x!tpu.dma_semaphore, #tpu.memory_space<semaphore_mem>> -> memref<1x!tpu.dma_semaphore, #tpu.memory_space<semaphore_mem>>
    %dma_start3A_113 = tpu.memref_squeeze %dma_start3A_112 : memref<1x!tpu.dma_semaphore, #tpu.memory_space<semaphore_mem>> -> memref<!tpu.dma_semaphore, #tpu.memory_space<semaphore_mem>>
    tpu.enqueue_indirect_dma source(%dma_start3A_111 : memref<128x64xf32, #tpu.memory_space<vmem_shared>>) target(%dma_start3A_105 : memref<128x64xf32, #tpu.memory_space<vmem>>) offsets(%dma_start3A_108 : memref<128xi32, #tpu.memory_space<vmem>>) semaphore(%dma_start3A_113 : memref<!tpu.dma_semaphore, #tpu.memory_space<semaphore_mem>>)
    %dma_start3A_114 = arith.constant 6 : i32
    %dma_start3A_115 = arith.constant 1 : i32
    %dma_start3A_116 = arith.constant 1 : i32
    %dma_start3A_117 = arith.constant 0 : i32
    %dma_start3A_118 = arith.constant 0 : i32
    %dma_start3A_119 = tpu.memref_slice %arg7[%dma_start3A_115, %dma_start3A_117, %dma_start3A_118] : memref<2x640x64xf32, #tpu.memory_space<vmem>> -> memref<1x640x64xf32, #tpu.memory_space<vmem>>
    %dma_start3A_120 = tpu.memref_squeeze %dma_start3A_119 : memref<1x640x64xf32, #tpu.memory_space<vmem>> -> memref<640x64xf32, #tpu.memory_space<vmem>>
    %dma_start3A_121 = arith.constant 128 : i32
    %dma_start3A_122 = arith.constant 0 : i32
    %dma_start3A_123 = tpu.memref_slice %dma_start3A_120[%dma_start3A_121, %dma_start3A_122] : memref<640x64xf32, #tpu.memory_space<vmem>> -> memref<128x64xf32, #tpu.memory_space<vmem>>
    %dma_start3A_124 = arith.constant 0 : i32
    %dma_start3A_125 = tpu.memref_slice %arg6[%dma_start3A_114, %dma_start3A_124] : memref<100x128xi32, #tpu.memory_space<vmem>> -> memref<1x128xi32, #tpu.memory_space<vmem>>
    %dma_start3A_126 = tpu.memref_squeeze %dma_start3A_125 : memref<1x128xi32, #tpu.memory_space<vmem>> -> memref<128xi32, #tpu.memory_space<vmem>>
    %dma_start3A_127 = arith.constant 0 : i32
    %dma_start3A_128 = arith.constant 0 : i32
    %dma_start3A_129 = tpu.memref_slice %arg5[%dma_start3A_127, %dma_start3A_128] : memref<128x64xf32, #tpu.memory_space<vmem_shared>> -> memref<128x64xf32, #tpu.memory_space<vmem_shared>>
    %dma_start3A_130 = tpu.memref_slice %arg8[%dma_start3A_116] : memref<2x!tpu.dma_semaphore, #tpu.memory_space<semaphore_mem>> -> memref<1x!tpu.dma_semaphore, #tpu.memory_space<semaphore_mem>>
    %dma_start3A_131 = tpu.memref_squeeze %dma_start3A_130 : memref<1x!tpu.dma_semaphore, #tpu.memory_space<semaphore_mem>> -> memref<!tpu.dma_semaphore, #tpu.memory_space<semaphore_mem>>
    tpu.enqueue_indirect_dma source(%dma_start3A_129 : memref<128x64xf32, #tpu.memory_space<vmem_shared>>) target(%dma_start3A_123 : memref<128x64xf32, #tpu.memory_space<vmem>>) offsets(%dma_start3A_126 : memref<128xi32, #tpu.memory_space<vmem>>) semaphore(%dma_start3A_131 : memref<!tpu.dma_semaphore, #tpu.memory_space<semaphore_mem>>)
    %dma_start3A_132 = arith.constant 7 : i32
    %dma_start3A_133 = arith.constant 1 : i32
    %dma_start3A_134 = arith.constant 1 : i32
    %dma_start3A_135 = arith.constant 0 : i32
    %dma_start3A_136 = arith.constant 0 : i32
    %dma_start3A_137 = tpu.memref_slice %arg7[%dma_start3A_133, %dma_start3A_135, %dma_start3A_136] : memref<2x640x64xf32, #tpu.memory_space<vmem>> -> memref<1x640x64xf32, #tpu.memory_space<vmem>>
    %dma_start3A_138 = tpu.memref_squeeze %dma_start3A_137 : memref<1x640x64xf32, #tpu.memory_space<vmem>> -> memref<640x64xf32, #tpu.memory_space<vmem>>
    %dma_start3A_139 = arith.constant 256 : i32
    %dma_start3A_140 = arith.constant 0 : i32
    %dma_start3A_141 = tpu.memref_slice %dma_start3A_138[%dma_start3A_139, %dma_start3A_140] : memref<640x64xf32, #tpu.memory_space<vmem>> -> memref<128x64xf32, #tpu.memory_space<vmem>>
    %dma_start3A_142 = arith.constant 0 : i32
    %dma_start3A_143 = tpu.memref_slice %arg6[%dma_start3A_132, %dma_start3A_142] : memref<100x128xi32, #tpu.memory_space<vmem>> -> memref<1x128xi32, #tpu.memory_space<vmem>>
    %dma_start3A_144 = tpu.memref_squeeze %dma_start3A_143 : memref<1x128xi32, #tpu.memory_space<vmem>> -> memref<128xi32, #tpu.memory_space<vmem>>
    %dma_start3A_145 = arith.constant 0 : i32
    %dma_start3A_146 = arith.constant 0 : i32
    %dma_start3A_147 = tpu.memref_slice %arg5[%dma_start3A_145, %dma_start3A_146] : memref<128x64xf32, #tpu.memory_space<vmem_shared>> -> memref<128x64xf32, #tpu.memory_space<vmem_shared>>
    %dma_start3A_148 = tpu.memref_slice %arg8[%dma_start3A_134] : memref<2x!tpu.dma_semaphore, #tpu.memory_space<semaphore_mem>> -> memref<1x!tpu.dma_semaphore, #tpu.memory_space<semaphore_mem>>
    %dma_start3A_149 = tpu.memref_squeeze %dma_start3A_148 : memref<1x!tpu.dma_semaphore, #tpu.memory_space<semaphore_mem>> -> memref<!tpu.dma_semaphore, #tpu.memory_space<semaphore_mem>>
    tpu.enqueue_indirect_dma source(%dma_start3A_147 : memref<128x64xf32, #tpu.memory_space<vmem_shared>>) target(%dma_start3A_141 : memref<128x64xf32, #tpu.memory_space<vmem>>) offsets(%dma_start3A_144 : memref<128xi32, #tpu.memory_space<vmem>>) semaphore(%dma_start3A_149 : memref<!tpu.dma_semaphore, #tpu.memory_space<semaphore_mem>>)
    %dma_start3A_150 = arith.constant 8 : i32
    %dma_start3A_151 = arith.constant 1 : i32
    %dma_start3A_152 = arith.constant 1 : i32
    %dma_start3A_153 = arith.constant 0 : i32
    %dma_start3A_154 = arith.constant 0 : i32
    %dma_start3A_155 = tpu.memref_slice %arg7[%dma_start3A_151, %dma_start3A_153, %dma_start3A_154] : memref<2x640x64xf32, #tpu.memory_space<vmem>> -> memref<1x640x64xf32, #tpu.memory_space<vmem>>
    %dma_start3A_156 = tpu.memref_squeeze %dma_start3A_155 : memref<1x640x64xf32, #tpu.memory_space<vmem>> -> memref<640x64xf32, #tpu.memory_space<vmem>>
    %dma_start3A_157 = arith.constant 384 : i32
    %dma_start3A_158 = arith.constant 0 : i32
    %dma_start3A_159 = tpu.memref_slice %dma_start3A_156[%dma_start3A_157, %dma_start3A_158] : memref<640x64xf32, #tpu.memory_space<vmem>> -> memref<128x64xf32, #tpu.memory_space<vmem>>
    %dma_start3A_160 = arith.constant 0 : i32
    %dma_start3A_161 = tpu.memref_slice %arg6[%dma_start3A_150, %dma_start3A_160] : memref<100x128xi32, #tpu.memory_space<vmem>> -> memref<1x128xi32, #tpu.memory_space<vmem>>
    %dma_start3A_162 = tpu.memref_squeeze %dma_start3A_161 : memref<1x128xi32, #tpu.memory_space<vmem>> -> memref<128xi32, #tpu.memory_space<vmem>>
    %dma_start3A_163 = arith.constant 0 : i32
    %dma_start3A_164 = arith.constant 0 : i32
    %dma_start3A_165 = tpu.memref_slice %arg5[%dma_start3A_163, %dma_start3A_164] : memref<128x64xf32, #tpu.memory_space<vmem_shared>> -> memref<128x64xf32, #tpu.memory_space<vmem_shared>>
    %dma_start3A_166 = tpu.memref_slice %arg8[%dma_start3A_152] : memref<2x!tpu.dma_semaphore, #tpu.memory_space<semaphore_mem>> -> memref<1x!tpu.dma_semaphore, #tpu.memory_space<semaphore_mem>>
    %dma_start3A_167 = tpu.memref_squeeze %dma_start3A_166 : memref<1x!tpu.dma_semaphore, #tpu.memory_space<semaphore_mem>> -> memref<!tpu.dma_semaphore, #tpu.memory_space<semaphore_mem>>
    tpu.enqueue_indirect_dma source(%dma_start3A_165 : memref<128x64xf32, #tpu.memory_space<vmem_shared>>) target(%dma_start3A_159 : memref<128x64xf32, #tpu.memory_space<vmem>>) offsets(%dma_start3A_162 : memref<128xi32, #tpu.memory_space<vmem>>) semaphore(%dma_start3A_167 : memref<!tpu.dma_semaphore, #tpu.memory_space<semaphore_mem>>)
    %dma_start3A_168 = arith.constant 9 : i32
    %dma_start3A_169 = arith.constant 1 : i32
    %dma_start3A_170 = arith.constant 1 : i32
    %dma_start3A_171 = arith.constant 0 : i32
    %dma_start3A_172 = arith.constant 0 : i32
    %dma_start3A_173 = tpu.memref_slice %arg7[%dma_start3A_169, %dma_start3A_171, %dma_start3A_172] : memref<2x640x64xf32, #tpu.memory_space<vmem>> -> memref<1x640x64xf32, #tpu.memory_space<vmem>>
    %dma_start3A_174 = tpu.memref_squeeze %dma_start3A_173 : memref<1x640x64xf32, #tpu.memory_space<vmem>> -> memref<640x64xf32, #tpu.memory_space<vmem>>
    %dma_start3A_175 = arith.constant 512 : i32
    %dma_start3A_176 = arith.constant 0 : i32
    %dma_start3A_177 = tpu.memref_slice %dma_start3A_174[%dma_start3A_175, %dma_start3A_176] : memref<640x64xf32, #tpu.memory_space<vmem>> -> memref<128x64xf32, #tpu.memory_space<vmem>>
    %dma_start3A_178 = arith.constant 0 : i32
    %dma_start3A_179 = tpu.memref_slice %arg6[%dma_start3A_168, %dma_start3A_178] : memref<100x128xi32, #tpu.memory_space<vmem>> -> memref<1x128xi32, #tpu.memory_space<vmem>>
    %dma_start3A_180 = tpu.memref_squeeze %dma_start3A_179 : memref<1x128xi32, #tpu.memory_space<vmem>> -> memref<128xi32, #tpu.memory_space<vmem>>
    %dma_start3A_181 = arith.constant 0 : i32
    %dma_start3A_182 = arith.constant 0 : i32
    %dma_start3A_183 = tpu.memref_slice %arg5[%dma_start3A_181, %dma_start3A_182] : memref<128x64xf32, #tpu.memory_space<vmem_shared>> -> memref<128x64xf32, #tpu.memory_space<vmem_shared>>
    %dma_start3A_184 = tpu.memref_slice %arg8[%dma_start3A_170] : memref<2x!tpu.dma_semaphore, #tpu.memory_space<semaphore_mem>> -> memref<1x!tpu.dma_semaphore, #tpu.memory_space<semaphore_mem>>
    %dma_start3A_185 = tpu.memref_squeeze %dma_start3A_184 : memref<1x!tpu.dma_semaphore, #tpu.memory_space<semaphore_mem>> -> memref<!tpu.dma_semaphore, #tpu.memory_space<semaphore_mem>>
    tpu.enqueue_indirect_dma source(%dma_start3A_183 : memref<128x64xf32, #tpu.memory_space<vmem_shared>>) target(%dma_start3A_177 : memref<128x64xf32, #tpu.memory_space<vmem>>) offsets(%dma_start3A_180 : memref<128xi32, #tpu.memory_space<vmem>>) semaphore(%dma_start3A_185 : memref<!tpu.dma_semaphore, #tpu.memory_space<semaphore_mem>>)
    %dma_wait3A = arith.constant 0 : i32
    %dma_wait3A_186 = arith.constant 0 : i32
    %dma_wait3A_187 = arith.constant 0 : i32
    %dma_wait3A_188 = arith.constant 0 : i32
    %dma_wait3A_189 = arith.constant 0 : i32
    %dma_wait3A_190 = tpu.memref_slice %arg7[%dma_wait3A_186, %dma_wait3A_188, %dma_wait3A_189] : memref<2x640x64xf32, #tpu.memory_space<vmem>> -> memref<1x640x64xf32, #tpu.memory_space<vmem>>
    %dma_wait3A_191 = tpu.memref_squeeze %dma_wait3A_190 : memref<1x640x64xf32, #tpu.memory_space<vmem>> -> memref<640x64xf32, #tpu.memory_space<vmem>>
    %dma_wait3A_192 = arith.constant 0 : i32
    %dma_wait3A_193 = arith.constant 0 : i32
    %dma_wait3A_194 = tpu.memref_slice %dma_wait3A_191[%dma_wait3A_192, %dma_wait3A_193] : memref<640x64xf32, #tpu.memory_space<vmem>> -> memref<128x64xf32, #tpu.memory_space<vmem>>
    %dma_wait3A_195 = arith.constant 0 : i32
    %dma_wait3A_196 = tpu.memref_slice %arg6[%dma_wait3A, %dma_wait3A_195] : memref<100x128xi32, #tpu.memory_space<vmem>> -> memref<1x128xi32, #tpu.memory_space<vmem>>
    %dma_wait3A_197 = tpu.memref_squeeze %dma_wait3A_196 : memref<1x128xi32, #tpu.memory_space<vmem>> -> memref<128xi32, #tpu.memory_space<vmem>>
    %dma_wait3A_198 = arith.constant 0 : i32
    %dma_wait3A_199 = arith.constant 0 : i32
    %dma_wait3A_200 = tpu.memref_slice %arg5[%dma_wait3A_198, %dma_wait3A_199] : memref<128x64xf32, #tpu.memory_space<vmem_shared>> -> memref<128x64xf32, #tpu.memory_space<vmem_shared>>
    %dma_wait3A_201 = tpu.memref_slice %arg8[%dma_wait3A_187] : memref<2x!tpu.dma_semaphore, #tpu.memory_space<semaphore_mem>> -> memref<1x!tpu.dma_semaphore, #tpu.memory_space<semaphore_mem>>
    %dma_wait3A_202 = tpu.memref_squeeze %dma_wait3A_201 : memref<1x!tpu.dma_semaphore, #tpu.memory_space<semaphore_mem>> -> memref<!tpu.dma_semaphore, #tpu.memory_space<semaphore_mem>>
    tpu.wait_indirect_dma semaphore(%dma_wait3A_202 : memref<!tpu.dma_semaphore, #tpu.memory_space<semaphore_mem>>) src(%dma_wait3A_200 : memref<128x64xf32, #tpu.memory_space<vmem_shared>>) dst(%dma_wait3A_194 : memref<128x64xf32, #tpu.memory_space<vmem>>)
    %dma_wait3A_203 = arith.constant 0 : i32
    %dma_wait3A_204 = arith.constant 0 : i32
    %dma_wait3A_205 = arith.constant 0 : i32
    %dma_wait3A_206 = arith.constant 0 : i32
    %dma_wait3A_207 = arith.constant 0 : i32
    %dma_wait3A_208 = tpu.memref_slice %arg7[%dma_wait3A_204, %dma_wait3A_206, %dma_wait3A_207] : memref<2x640x64xf32, #tpu.memory_space<vmem>> -> memref<1x640x64xf32, #tpu.memory_space<vmem>>
    %dma_wait3A_209 = tpu.memref_squeeze %dma_wait3A_208 : memref<1x640x64xf32, #tpu.memory_space<vmem>> -> memref<640x64xf32, #tpu.memory_space<vmem>>
    %dma_wait3A_210 = arith.constant 0 : i32
    %dma_wait3A_211 = arith.constant 0 : i32
    %dma_wait3A_212 = tpu.memref_slice %dma_wait3A_209[%dma_wait3A_210, %dma_wait3A_211] : memref<640x64xf32, #tpu.memory_space<vmem>> -> memref<128x64xf32, #tpu.memory_space<vmem>>
    %dma_wait3A_213 = arith.constant 0 : i32
    %dma_wait3A_214 = tpu.memref_slice %arg6[%dma_wait3A_203, %dma_wait3A_213] : memref<100x128xi32, #tpu.memory_space<vmem>> -> memref<1x128xi32, #tpu.memory_space<vmem>>
    %dma_wait3A_215 = tpu.memref_squeeze %dma_wait3A_214 : memref<1x128xi32, #tpu.memory_space<vmem>> -> memref<128xi32, #tpu.memory_space<vmem>>
    %dma_wait3A_216 = arith.constant 0 : i32
    %dma_wait3A_217 = arith.constant 0 : i32
    %dma_wait3A_218 = tpu.memref_slice %arg5[%dma_wait3A_216, %dma_wait3A_217] : memref<128x64xf32, #tpu.memory_space<vmem_shared>> -> memref<128x64xf32, #tpu.memory_space<vmem_shared>>
    %dma_wait3A_219 = tpu.memref_slice %arg8[%dma_wait3A_205] : memref<2x!tpu.dma_semaphore, #tpu.memory_space<semaphore_mem>> -> memref<1x!tpu.dma_semaphore, #tpu.memory_space<semaphore_mem>>
    %dma_wait3A_220 = tpu.memref_squeeze %dma_wait3A_219 : memref<1x!tpu.dma_semaphore, #tpu.memory_space<semaphore_mem>> -> memref<!tpu.dma_semaphore, #tpu.memory_space<semaphore_mem>>
    tpu.wait_indirect_dma semaphore(%dma_wait3A_220 : memref<!tpu.dma_semaphore, #tpu.memory_space<semaphore_mem>>) src(%dma_wait3A_218 : memref<128x64xf32, #tpu.memory_space<vmem_shared>>) dst(%dma_wait3A_212 : memref<128x64xf32, #tpu.memory_space<vmem>>)
    %dma_wait3A_221 = arith.constant 0 : i32
    %dma_wait3A_222 = arith.constant 0 : i32
    %dma_wait3A_223 = arith.constant 0 : i32
    %dma_wait3A_224 = arith.constant 0 : i32
    %dma_wait3A_225 = arith.constant 0 : i32
    %dma_wait3A_226 = tpu.memref_slice %arg7[%dma_wait3A_222, %dma_wait3A_224, %dma_wait3A_225] : memref<2x640x64xf32, #tpu.memory_space<vmem>> -> memref<1x640x64xf32, #tpu.memory_space<vmem>>
    %dma_wait3A_227 = tpu.memref_squeeze %dma_wait3A_226 : memref<1x640x64xf32, #tpu.memory_space<vmem>> -> memref<640x64xf32, #tpu.memory_space<vmem>>
    %dma_wait3A_228 = arith.constant 0 : i32
    %dma_wait3A_229 = arith.constant 0 : i32
    %dma_wait3A_230 = tpu.memref_slice %dma_wait3A_227[%dma_wait3A_228, %dma_wait3A_229] : memref<640x64xf32, #tpu.memory_space<vmem>> -> memref<128x64xf32, #tpu.memory_space<vmem>>
    %dma_wait3A_231 = arith.constant 0 : i32
    %dma_wait3A_232 = tpu.memref_slice %arg6[%dma_wait3A_221, %dma_wait3A_231] : memref<100x128xi32, #tpu.memory_space<vmem>> -> memref<1x128xi32, #tpu.memory_space<vmem>>
    %dma_wait3A_233 = tpu.memref_squeeze %dma_wait3A_232 : memref<1x128xi32, #tpu.memory_space<vmem>> -> memref<128xi32, #tpu.memory_space<vmem>>
    %dma_wait3A_234 = arith.constant 0 : i32
    %dma_wait3A_235 = arith.constant 0 : i32
    %dma_wait3A_236 = tpu.memref_slice %arg5[%dma_wait3A_234, %dma_wait3A_235] : memref<128x64xf32, #tpu.memory_space<vmem_shared>> -> memref<128x64xf32, #tpu.memory_space<vmem_shared>>
    %dma_wait3A_237 = tpu.memref_slice %arg8[%dma_wait3A_223] : memref<2x!tpu.dma_semaphore, #tpu.memory_space<semaphore_mem>> -> memref<1x!tpu.dma_semaphore, #tpu.memory_space<semaphore_mem>>
    %dma_wait3A_238 = tpu.memref_squeeze %dma_wait3A_237 : memref<1x!tpu.dma_semaphore, #tpu.memory_space<semaphore_mem>> -> memref<!tpu.dma_semaphore, #tpu.memory_space<semaphore_mem>>
    tpu.wait_indirect_dma semaphore(%dma_wait3A_238 : memref<!tpu.dma_semaphore, #tpu.memory_space<semaphore_mem>>) src(%dma_wait3A_236 : memref<128x64xf32, #tpu.memory_space<vmem_shared>>) dst(%dma_wait3A_230 : memref<128x64xf32, #tpu.memory_space<vmem>>)
    %dma_wait3A_239 = arith.constant 0 : i32
    %dma_wait3A_240 = arith.constant 0 : i32
    %dma_wait3A_241 = arith.constant 0 : i32
    %dma_wait3A_242 = arith.constant 0 : i32
    %dma_wait3A_243 = arith.constant 0 : i32
    %dma_wait3A_244 = tpu.memref_slice %arg7[%dma_wait3A_240, %dma_wait3A_242, %dma_wait3A_243] : memref<2x640x64xf32, #tpu.memory_space<vmem>> -> memref<1x640x64xf32, #tpu.memory_space<vmem>>
    %dma_wait3A_245 = tpu.memref_squeeze %dma_wait3A_244 : memref<1x640x64xf32, #tpu.memory_space<vmem>> -> memref<640x64xf32, #tpu.memory_space<vmem>>
    %dma_wait3A_246 = arith.constant 0 : i32
    %dma_wait3A_247 = arith.constant 0 : i32
    %dma_wait3A_248 = tpu.memref_slice %dma_wait3A_245[%dma_wait3A_246, %dma_wait3A_247] : memref<640x64xf32, #tpu.memory_space<vmem>> -> memref<128x64xf32, #tpu.memory_space<vmem>>
    %dma_wait3A_249 = arith.constant 0 : i32
    %dma_wait3A_250 = tpu.memref_slice %arg6[%dma_wait3A_239, %dma_wait3A_249] : memref<100x128xi32, #tpu.memory_space<vmem>> -> memref<1x128xi32, #tpu.memory_space<vmem>>
    %dma_wait3A_251 = tpu.memref_squeeze %dma_wait3A_250 : memref<1x128xi32, #tpu.memory_space<vmem>> -> memref<128xi32, #tpu.memory_space<vmem>>
    %dma_wait3A_252 = arith.constant 0 : i32
    %dma_wait3A_253 = arith.constant 0 : i32
    %dma_wait3A_254 = tpu.memref_slice %arg5[%dma_wait3A_252, %dma_wait3A_253] : memref<128x64xf32, #tpu.memory_space<vmem_shared>> -> memref<128x64xf32, #tpu.memory_space<vmem_shared>>
    %dma_wait3A_255 = tpu.memref_slice %arg8[%dma_wait3A_241] : memref<2x!tpu.dma_semaphore, #tpu.memory_space<semaphore_mem>> -> memref<1x!tpu.dma_semaphore, #tpu.memory_space<semaphore_mem>>
    %dma_wait3A_256 = tpu.memref_squeeze %dma_wait3A_255 : memref<1x!tpu.dma_semaphore, #tpu.memory_space<semaphore_mem>> -> memref<!tpu.dma_semaphore, #tpu.memory_space<semaphore_mem>>
    tpu.wait_indirect_dma semaphore(%dma_wait3A_256 : memref<!tpu.dma_semaphore, #tpu.memory_space<semaphore_mem>>) src(%dma_wait3A_254 : memref<128x64xf32, #tpu.memory_space<vmem_shared>>) dst(%dma_wait3A_248 : memref<128x64xf32, #tpu.memory_space<vmem>>)
    %dma_wait3A_257 = arith.constant 0 : i32
    %dma_wait3A_258 = arith.constant 0 : i32
    %dma_wait3A_259 = arith.constant 0 : i32
    %dma_wait3A_260 = arith.constant 0 : i32
    %dma_wait3A_261 = arith.constant 0 : i32
    %dma_wait3A_262 = tpu.memref_slice %arg7[%dma_wait3A_258, %dma_wait3A_260, %dma_wait3A_261] : memref<2x640x64xf32, #tpu.memory_space<vmem>> -> memref<1x640x64xf32, #tpu.memory_space<vmem>>
    %dma_wait3A_263 = tpu.memref_squeeze %dma_wait3A_262 : memref<1x640x64xf32, #tpu.memory_space<vmem>> -> memref<640x64xf32, #tpu.memory_space<vmem>>
    %dma_wait3A_264 = arith.constant 0 : i32
    %dma_wait3A_265 = arith.constant 0 : i32
    %dma_wait3A_266 = tpu.memref_slice %dma_wait3A_263[%dma_wait3A_264, %dma_wait3A_265] : memref<640x64xf32, #tpu.memory_space<vmem>> -> memref<128x64xf32, #tpu.memory_space<vmem>>
    %dma_wait3A_267 = arith.constant 0 : i32
    %dma_wait3A_268 = tpu.memref_slice %arg6[%dma_wait3A_257, %dma_wait3A_267] : memref<100x128xi32, #tpu.memory_space<vmem>> -> memref<1x128xi32, #tpu.memory_space<vmem>>
    %dma_wait3A_269 = tpu.memref_squeeze %dma_wait3A_268 : memref<1x128xi32, #tpu.memory_space<vmem>> -> memref<128xi32, #tpu.memory_space<vmem>>
    %dma_wait3A_270 = arith.constant 0 : i32
    %dma_wait3A_271 = arith.constant 0 : i32
    %dma_wait3A_272 = tpu.memref_slice %arg5[%dma_wait3A_270, %dma_wait3A_271] : memref<128x64xf32, #tpu.memory_space<vmem_shared>> -> memref<128x64xf32, #tpu.memory_space<vmem_shared>>
    %dma_wait3A_273 = tpu.memref_slice %arg8[%dma_wait3A_259] : memref<2x!tpu.dma_semaphore, #tpu.memory_space<semaphore_mem>> -> memref<1x!tpu.dma_semaphore, #tpu.memory_space<semaphore_mem>>
    %dma_wait3A_274 = tpu.memref_squeeze %dma_wait3A_273 : memref<1x!tpu.dma_semaphore, #tpu.memory_space<semaphore_mem>> -> memref<!tpu.dma_semaphore, #tpu.memory_space<semaphore_mem>>
    tpu.wait_indirect_dma semaphore(%dma_wait3A_274 : memref<!tpu.dma_semaphore, #tpu.memory_space<semaphore_mem>>) src(%dma_wait3A_272 : memref<128x64xf32, #tpu.memory_space<vmem_shared>>) dst(%dma_wait3A_266 : memref<128x64xf32, #tpu.memory_space<vmem>>)
    %add3A_275 = arith.constant 0 : i32
    %add3A_276 = arith.addi %mul3A_2, %add3A_275 : i32
    %dma_start3A_277 = arith.constant 0 : i32
    %dma_start3A_278 = arith.constant 0 : i32
    %dma_start3A_279 = arith.constant 0 : i32
    %dma_start3A_280 = arith.constant 0 : i32
    %dma_start3A_281 = tpu.memref_slice %arg7[%dma_start3A_277, %dma_start3A_279, %dma_start3A_280] : memref<2x640x64xf32, #tpu.memory_space<vmem>> -> memref<1x640x64xf32, #tpu.memory_space<vmem>>
    %dma_start3A_282 = tpu.memref_squeeze %dma_start3A_281 : memref<1x640x64xf32, #tpu.memory_space<vmem>> -> memref<640x64xf32, #tpu.memory_space<vmem>>
    %dma_start3A_283 = arith.constant 0 : i32
    %dma_start3A_284 = tpu.memref_slice %arg4[%add3A_276, %dma_start3A_283] : memref<409600x64xf32, #tpu.memory_space<hbm>> -> memref<640x64xf32, #tpu.memory_space<hbm>>
    %dma_start3A_285 = tpu.memref_slice %arg9[%dma_start3A_278] : memref<2x!tpu.dma_semaphore, #tpu.memory_space<semaphore_mem>> -> memref<1x!tpu.dma_semaphore, #tpu.memory_space<semaphore_mem>>
    %dma_start3A_286 = tpu.memref_squeeze %dma_start3A_285 : memref<1x!tpu.dma_semaphore, #tpu.memory_space<semaphore_mem>> -> memref<!tpu.dma_semaphore, #tpu.memory_space<semaphore_mem>>
    %dma_start3A_287 = arith.constant 0 : i32
    %dma_start3A_288 = tpu.memref_slice %arg4[%add3A_276, %dma_start3A_287] : memref<409600x64xf32, #tpu.memory_space<hbm>> -> memref<640x64xf32, #tpu.memory_space<hbm>>
    %dma_start3A_289 = arith.constant 0 : i32
    %dma_start3A_290 = arith.constant 0 : i32
    %dma_start3A_291 = tpu.memref_slice %arg7[%dma_start3A_277, %dma_start3A_289, %dma_start3A_290] : memref<2x640x64xf32, #tpu.memory_space<vmem>> -> memref<1x640x64xf32, #tpu.memory_space<vmem>>
    %dma_start3A_292 = tpu.memref_squeeze %dma_start3A_291 : memref<1x640x64xf32, #tpu.memory_space<vmem>> -> memref<640x64xf32, #tpu.memory_space<vmem>>
    tpu.enqueue_dma source(%dma_start3A_292 : memref<640x64xf32, #tpu.memory_space<vmem>>) target(%dma_start3A_288 : memref<640x64xf32, #tpu.memory_space<hbm>>) target_semaphore(%dma_start3A_286 : memref<!tpu.dma_semaphore, #tpu.memory_space<semaphore_mem>>)
    %dma_wait3A_293 = arith.constant 0 : i32
    %dma_wait3A_294 = arith.constant 1 : i32
    %dma_wait3A_295 = arith.constant 1 : i32
    %dma_wait3A_296 = arith.constant 0 : i32
    %dma_wait3A_297 = arith.constant 0 : i32
    %dma_wait3A_298 = tpu.memref_slice %arg7[%dma_wait3A_294, %dma_wait3A_296, %dma_wait3A_297] : memref<2x640x64xf32, #tpu.memory_space<vmem>> -> memref<1x640x64xf32, #tpu.memory_space<vmem>>
    %dma_wait3A_299 = tpu.memref_squeeze %dma_wait3A_298 : memref<1x640x64xf32, #tpu.memory_space<vmem>> -> memref<640x64xf32, #tpu.memory_space<vmem>>
    %dma_wait3A_300 = arith.constant 0 : i32
    %dma_wait3A_301 = arith.constant 0 : i32
    %dma_wait3A_302 = tpu.memref_slice %dma_wait3A_299[%dma_wait3A_300, %dma_wait3A_301] : memref<640x64xf32, #tpu.memory_space<vmem>> -> memref<128x64xf32, #tpu.memory_space<vmem>>
    %dma_wait3A_303 = arith.constant 0 : i32
    %dma_wait3A_304 = tpu.memref_slice %arg6[%dma_wait3A_293, %dma_wait3A_303] : memref<100x128xi32, #tpu.memory_space<vmem>> -> memref<1x128xi32, #tpu.memory_space<vmem>>
    %dma_wait3A_305 = tpu.memref_squeeze %dma_wait3A_304 : memref<1x128xi32, #tpu.memory_space<vmem>> -> memref<128xi32, #tpu.memory_space<vmem>>
    %dma_wait3A_306 = arith.constant 0 : i32
    %dma_wait3A_307 = arith.constant 0 : i32
    %dma_wait3A_308 = tpu.memref_slice %arg5[%dma_wait3A_306, %dma_wait3A_307] : memref<128x64xf32, #tpu.memory_space<vmem_shared>> -> memref<128x64xf32, #tpu.memory_space<vmem_shared>>
    %dma_wait3A_309 = tpu.memref_slice %arg8[%dma_wait3A_295] : memref<2x!tpu.dma_semaphore, #tpu.memory_space<semaphore_mem>> -> memref<1x!tpu.dma_semaphore, #tpu.memory_space<semaphore_mem>>
    %dma_wait3A_310 = tpu.memref_squeeze %dma_wait3A_309 : memref<1x!tpu.dma_semaphore, #tpu.memory_space<semaphore_mem>> -> memref<!tpu.dma_semaphore, #tpu.memory_space<semaphore_mem>>
    tpu.wait_indirect_dma semaphore(%dma_wait3A_310 : memref<!tpu.dma_semaphore, #tpu.memory_space<semaphore_mem>>) src(%dma_wait3A_308 : memref<128x64xf32, #tpu.memory_space<vmem_shared>>) dst(%dma_wait3A_302 : memref<128x64xf32, #tpu.memory_space<vmem>>)
    %dma_wait3A_311 = arith.constant 0 : i32
    %dma_wait3A_312 = arith.constant 1 : i32
    %dma_wait3A_313 = arith.constant 1 : i32
    %dma_wait3A_314 = arith.constant 0 : i32
    %dma_wait3A_315 = arith.constant 0 : i32
    %dma_wait3A_316 = tpu.memref_slice %arg7[%dma_wait3A_312, %dma_wait3A_314, %dma_wait3A_315] : memref<2x640x64xf32, #tpu.memory_space<vmem>> -> memref<1x640x64xf32, #tpu.memory_space<vmem>>
    %dma_wait3A_317 = tpu.memref_squeeze %dma_wait3A_316 : memref<1x640x64xf32, #tpu.memory_space<vmem>> -> memref<640x64xf32, #tpu.memory_space<vmem>>
    %dma_wait3A_318 = arith.constant 0 : i32
    %dma_wait3A_319 = arith.constant 0 : i32
    %dma_wait3A_320 = tpu.memref_slice %dma_wait3A_317[%dma_wait3A_318, %dma_wait3A_319] : memref<640x64xf32, #tpu.memory_space<vmem>> -> memref<128x64xf32, #tpu.memory_space<vmem>>
    %dma_wait3A_321 = arith.constant 0 : i32
    %dma_wait3A_322 = tpu.memref_slice %arg6[%dma_wait3A_311, %dma_wait3A_321] : memref<100x128xi32, #tpu.memory_space<vmem>> -> memref<1x128xi32, #tpu.memory_space<vmem>>
    %dma_wait3A_323 = tpu.memref_squeeze %dma_wait3A_322 : memref<1x128xi32, #tpu.memory_space<vmem>> -> memref<128xi32, #tpu.memory_space<vmem>>
    %dma_wait3A_324 = arith.constant 0 : i32
    %dma_wait3A_325 = arith.constant 0 : i32
    %dma_wait3A_326 = tpu.memref_slice %arg5[%dma_wait3A_324, %dma_wait3A_325] : memref<128x64xf32, #tpu.memory_space<vmem_shared>> -> memref<128x64xf32, #tpu.memory_space<vmem_shared>>
    %dma_wait3A_327 = tpu.memref_slice %arg8[%dma_wait3A_313] : memref<2x!tpu.dma_semaphore, #tpu.memory_space<semaphore_mem>> -> memref<1x!tpu.dma_semaphore, #tpu.memory_space<semaphore_mem>>
    %dma_wait3A_328 = tpu.memref_squeeze %dma_wait3A_327 : memref<1x!tpu.dma_semaphore, #tpu.memory_space<semaphore_mem>> -> memref<!tpu.dma_semaphore, #tpu.memory_space<semaphore_mem>>
    tpu.wait_indirect_dma semaphore(%dma_wait3A_328 : memref<!tpu.dma_semaphore, #tpu.memory_space<semaphore_mem>>) src(%dma_wait3A_326 : memref<128x64xf32, #tpu.memory_space<vmem_shared>>) dst(%dma_wait3A_320 : memref<128x64xf32, #tpu.memory_space<vmem>>)
    %dma_wait3A_329 = arith.constant 0 : i32
    %dma_wait3A_330 = arith.constant 1 : i32
    %dma_wait3A_331 = arith.constant 1 : i32
    %dma_wait3A_332 = arith.constant 0 : i32
    %dma_wait3A_333 = arith.constant 0 : i32
    %dma_wait3A_334 = tpu.memref_slice %arg7[%dma_wait3A_330, %dma_wait3A_332, %dma_wait3A_333] : memref<2x640x64xf32, #tpu.memory_space<vmem>> -> memref<1x640x64xf32, #tpu.memory_space<vmem>>
    %dma_wait3A_335 = tpu.memref_squeeze %dma_wait3A_334 : memref<1x640x64xf32, #tpu.memory_space<vmem>> -> memref<640x64xf32, #tpu.memory_space<vmem>>
    %dma_wait3A_336 = arith.constant 0 : i32
    %dma_wait3A_337 = arith.constant 0 : i32
    %dma_wait3A_338 = tpu.memref_slice %dma_wait3A_335[%dma_wait3A_336, %dma_wait3A_337] : memref<640x64xf32, #tpu.memory_space<vmem>> -> memref<128x64xf32, #tpu.memory_space<vmem>>
    %dma_wait3A_339 = arith.constant 0 : i32
    %dma_wait3A_340 = tpu.memref_slice %arg6[%dma_wait3A_329, %dma_wait3A_339] : memref<100x128xi32, #tpu.memory_space<vmem>> -> memref<1x128xi32, #tpu.memory_space<vmem>>
    %dma_wait3A_341 = tpu.memref_squeeze %dma_wait3A_340 : memref<1x128xi32, #tpu.memory_space<vmem>> -> memref<128xi32, #tpu.memory_space<vmem>>
    %dma_wait3A_342 = arith.constant 0 : i32
    %dma_wait3A_343 = arith.constant 0 : i32
    %dma_wait3A_344 = tpu.memref_slice %arg5[%dma_wait3A_342, %dma_wait3A_343] : memref<128x64xf32, #tpu.memory_space<vmem_shared>> -> memref<128x64xf32, #tpu.memory_space<vmem_shared>>
    %dma_wait3A_345 = tpu.memref_slice %arg8[%dma_wait3A_331] : memref<2x!tpu.dma_semaphore, #tpu.memory_space<semaphore_mem>> -> memref<1x!tpu.dma_semaphore, #tpu.memory_space<semaphore_mem>>
    %dma_wait3A_346 = tpu.memref_squeeze %dma_wait3A_345 : memref<1x!tpu.dma_semaphore, #tpu.memory_space<semaphore_mem>> -> memref<!tpu.dma_semaphore, #tpu.memory_space<semaphore_mem>>
    tpu.wait_indirect_dma semaphore(%dma_wait3A_346 : memref<!tpu.dma_semaphore, #tpu.memory_space<semaphore_mem>>) src(%dma_wait3A_344 : memref<128x64xf32, #tpu.memory_space<vmem_shared>>) dst(%dma_wait3A_338 : memref<128x64xf32, #tpu.memory_space<vmem>>)
    %dma_wait3A_347 = arith.constant 0 : i32
    %dma_wait3A_348 = arith.constant 1 : i32
    %dma_wait3A_349 = arith.constant 1 : i32
    %dma_wait3A_350 = arith.constant 0 : i32
    %dma_wait3A_351 = arith.constant 0 : i32
    %dma_wait3A_352 = tpu.memref_slice %arg7[%dma_wait3A_348, %dma_wait3A_350, %dma_wait3A_351] : memref<2x640x64xf32, #tpu.memory_space<vmem>> -> memref<1x640x64xf32, #tpu.memory_space<vmem>>
    %dma_wait3A_353 = tpu.memref_squeeze %dma_wait3A_352 : memref<1x640x64xf32, #tpu.memory_space<vmem>> -> memref<640x64xf32, #tpu.memory_space<vmem>>
    %dma_wait3A_354 = arith.constant 0 : i32
    %dma_wait3A_355 = arith.constant 0 : i32
    %dma_wait3A_356 = tpu.memref_slice %dma_wait3A_353[%dma_wait3A_354, %dma_wait3A_355] : memref<640x64xf32, #tpu.memory_space<vmem>> -> memref<128x64xf32, #tpu.memory_space<vmem>>
    %dma_wait3A_357 = arith.constant 0 : i32
    %dma_wait3A_358 = tpu.memref_slice %arg6[%dma_wait3A_347, %dma_wait3A_357] : memref<100x128xi32, #tpu.memory_space<vmem>> -> memref<1x128xi32, #tpu.memory_space<vmem>>
    %dma_wait3A_359 = tpu.memref_squeeze %dma_wait3A_358 : memref<1x128xi32, #tpu.memory_space<vmem>> -> memref<128xi32, #tpu.memory_space<vmem>>
    %dma_wait3A_360 = arith.constant 0 : i32
    %dma_wait3A_361 = arith.constant 0 : i32
    %dma_wait3A_362 = tpu.memref_slice %arg5[%dma_wait3A_360, %dma_wait3A_361] : memref<128x64xf32, #tpu.memory_space<vmem_shared>> -> memref<128x64xf32, #tpu.memory_space<vmem_shared>>
    %dma_wait3A_363 = tpu.memref_slice %arg8[%dma_wait3A_349] : memref<2x!tpu.dma_semaphore, #tpu.memory_space<semaphore_mem>> -> memref<1x!tpu.dma_semaphore, #tpu.memory_space<semaphore_mem>>
    %dma_wait3A_364 = tpu.memref_squeeze %dma_wait3A_363 : memref<1x!tpu.dma_semaphore, #tpu.memory_space<semaphore_mem>> -> memref<!tpu.dma_semaphore, #tpu.memory_space<semaphore_mem>>
    tpu.wait_indirect_dma semaphore(%dma_wait3A_364 : memref<!tpu.dma_semaphore, #tpu.memory_space<semaphore_mem>>) src(%dma_wait3A_362 : memref<128x64xf32, #tpu.memory_space<vmem_shared>>) dst(%dma_wait3A_356 : memref<128x64xf32, #tpu.memory_space<vmem>>)
    %dma_wait3A_365 = arith.constant 0 : i32
    %dma_wait3A_366 = arith.constant 1 : i32
    %dma_wait3A_367 = arith.constant 1 : i32
    %dma_wait3A_368 = arith.constant 0 : i32
    %dma_wait3A_369 = arith.constant 0 : i32
    %dma_wait3A_370 = tpu.memref_slice %arg7[%dma_wait3A_366, %dma_wait3A_368, %dma_wait3A_369] : memref<2x640x64xf32, #tpu.memory_space<vmem>> -> memref<1x640x64xf32, #tpu.memory_space<vmem>>
    %dma_wait3A_371 = tpu.memref_squeeze %dma_wait3A_370 : memref<1x640x64xf32, #tpu.memory_space<vmem>> -> memref<640x64xf32, #tpu.memory_space<vmem>>
    %dma_wait3A_372 = arith.constant 0 : i32
    %dma_wait3A_373 = arith.constant 0 : i32
    %dma_wait3A_374 = tpu.memref_slice %dma_wait3A_371[%dma_wait3A_372, %dma_wait3A_373] : memref<640x64xf32, #tpu.memory_space<vmem>> -> memref<128x64xf32, #tpu.memory_space<vmem>>
    %dma_wait3A_375 = arith.constant 0 : i32
    %dma_wait3A_376 = tpu.memref_slice %arg6[%dma_wait3A_365, %dma_wait3A_375] : memref<100x128xi32, #tpu.memory_space<vmem>> -> memref<1x128xi32, #tpu.memory_space<vmem>>
    %dma_wait3A_377 = tpu.memref_squeeze %dma_wait3A_376 : memref<1x128xi32, #tpu.memory_space<vmem>> -> memref<128xi32, #tpu.memory_space<vmem>>
    %dma_wait3A_378 = arith.constant 0 : i32
    %dma_wait3A_379 = arith.constant 0 : i32
    %dma_wait3A_380 = tpu.memref_slice %arg5[%dma_wait3A_378, %dma_wait3A_379] : memref<128x64xf32, #tpu.memory_space<vmem_shared>> -> memref<128x64xf32, #tpu.memory_space<vmem_shared>>
    %dma_wait3A_381 = tpu.memref_slice %arg8[%dma_wait3A_367] : memref<2x!tpu.dma_semaphore, #tpu.memory_space<semaphore_mem>> -> memref<1x!tpu.dma_semaphore, #tpu.memory_space<semaphore_mem>>
    %dma_wait3A_382 = tpu.memref_squeeze %dma_wait3A_381 : memref<1x!tpu.dma_semaphore, #tpu.memory_space<semaphore_mem>> -> memref<!tpu.dma_semaphore, #tpu.memory_space<semaphore_mem>>
    tpu.wait_indirect_dma semaphore(%dma_wait3A_382 : memref<!tpu.dma_semaphore, #tpu.memory_space<semaphore_mem>>) src(%dma_wait3A_380 : memref<128x64xf32, #tpu.memory_space<vmem_shared>>) dst(%dma_wait3A_374 : memref<128x64xf32, #tpu.memory_space<vmem>>)
    %add3A_383 = arith.constant 640 : i32
    %add3A_384 = arith.addi %mul3A_2, %add3A_383 : i32
    %dma_start3A_385 = arith.constant 1 : i32
    %dma_start3A_386 = arith.constant 1 : i32
    %dma_start3A_387 = arith.constant 0 : i32
    %dma_start3A_388 = arith.constant 0 : i32
    %dma_start3A_389 = tpu.memref_slice %arg7[%dma_start3A_385, %dma_start3A_387, %dma_start3A_388] : memref<2x640x64xf32, #tpu.memory_space<vmem>> -> memref<1x640x64xf32, #tpu.memory_space<vmem>>
    %dma_start3A_390 = tpu.memref_squeeze %dma_start3A_389 : memref<1x640x64xf32, #tpu.memory_space<vmem>> -> memref<640x64xf32, #tpu.memory_space<vmem>>
    %dma_start3A_391 = arith.constant 0 : i32
    %dma_start3A_392 = tpu.memref_slice %arg4[%add3A_384, %dma_start3A_391] : memref<409600x64xf32, #tpu.memory_space<hbm>> -> memref<640x64xf32, #tpu.memory_space<hbm>>
    %dma_start3A_393 = tpu.memref_slice %arg9[%dma_start3A_386] : memref<2x!tpu.dma_semaphore, #tpu.memory_space<semaphore_mem>> -> memref<1x!tpu.dma_semaphore, #tpu.memory_space<semaphore_mem>>
    %dma_start3A_394 = tpu.memref_squeeze %dma_start3A_393 : memref<1x!tpu.dma_semaphore, #tpu.memory_space<semaphore_mem>> -> memref<!tpu.dma_semaphore, #tpu.memory_space<semaphore_mem>>
    %dma_start3A_395 = arith.constant 0 : i32
    %dma_start3A_396 = tpu.memref_slice %arg4[%add3A_384, %dma_start3A_395] : memref<409600x64xf32, #tpu.memory_space<hbm>> -> memref<640x64xf32, #tpu.memory_space<hbm>>
    %dma_start3A_397 = arith.constant 0 : i32
    %dma_start3A_398 = arith.constant 0 : i32
    %dma_start3A_399 = tpu.memref_slice %arg7[%dma_start3A_385, %dma_start3A_397, %dma_start3A_398] : memref<2x640x64xf32, #tpu.memory_space<vmem>> -> memref<1x640x64xf32, #tpu.memory_space<vmem>>
    %dma_start3A_400 = tpu.memref_squeeze %dma_start3A_399 : memref<1x640x64xf32, #tpu.memory_space<vmem>> -> memref<640x64xf32, #tpu.memory_space<vmem>>
    tpu.enqueue_dma source(%dma_start3A_400 : memref<640x64xf32, #tpu.memory_space<vmem>>) target(%dma_start3A_396 : memref<640x64xf32, #tpu.memory_space<hbm>>) target_semaphore(%dma_start3A_394 : memref<!tpu.dma_semaphore, #tpu.memory_space<semaphore_mem>>)
    %scan3A = arith.constant 0 : i32
    %scan3A_401 = arith.constant 1 : i32
    %scan3A_402 = arith.constant 9 : i32
    %scan3A_403 = arith.addi %scan3A_401, %scan3A_402 : i32
    %scan3A_404 = arith.constant 1 : i32
    scf.for %scan3A_438 = %scan3A_401 to %scan3A_403 step %scan3A_404  : i32 {
      %mul3A_439 = arith.constant 2 : i32
      %mul3A_440 = arith.muli %mul3A_439, %scan3A_438 : i32
      %dma_wait3A_441 = arith.constant 0 : i32
      %dma_wait3A_442 = arith.constant 0 : i32
      %dma_wait3A_443 = arith.constant 0 : i32
      %dma_wait3A_444 = arith.constant 0 : i32
      %dma_wait3A_445 = tpu.memref_slice %arg7[%dma_wait3A_441, %dma_wait3A_443, %dma_wait3A_444] : memref<2x640x64xf32, #tpu.memory_space<vmem>> -> memref<1x640x64xf32, #tpu.memory_space<vmem>>
      %dma_wait3A_446 = tpu.memref_squeeze %dma_wait3A_445 : memref<1x640x64xf32, #tpu.memory_space<vmem>> -> memref<640x64xf32, #tpu.memory_space<vmem>>
      %dma_wait3A_447 = arith.constant 0 : i32
      %dma_wait3A_448 = tpu.memref_slice %arg4[%mul3A_2, %dma_wait3A_447] : memref<409600x64xf32, #tpu.memory_space<hbm>> -> memref<640x64xf32, #tpu.memory_space<hbm>>
      %dma_wait3A_449 = tpu.memref_slice %arg9[%dma_wait3A_442] : memref<2x!tpu.dma_semaphore, #tpu.memory_space<semaphore_mem>> -> memref<1x!tpu.dma_semaphore, #tpu.memory_space<semaphore_mem>>
      %dma_wait3A_450 = tpu.memref_squeeze %dma_wait3A_449 : memref<1x!tpu.dma_semaphore, #tpu.memory_space<semaphore_mem>> -> memref<!tpu.dma_semaphore, #tpu.memory_space<semaphore_mem>>
      %dma_wait3A_451 = arith.constant 0 : i32
      %dma_wait3A_452 = tpu.memref_slice %arg4[%mul3A_2, %dma_wait3A_451] : memref<409600x64xf32, #tpu.memory_space<hbm>> -> memref<640x64xf32, #tpu.memory_space<hbm>>
      %dma_wait3A_453 = arith.constant 0 : i32
      %dma_wait3A_454 = arith.constant 0 : i32
      %dma_wait3A_455 = tpu.memref_slice %arg7[%dma_wait3A_441, %dma_wait3A_453, %dma_wait3A_454] : memref<2x640x64xf32, #tpu.memory_space<vmem>> -> memref<1x640x64xf32, #tpu.memory_space<vmem>>
      %dma_wait3A_456 = tpu.memref_squeeze %dma_wait3A_455 : memref<1x640x64xf32, #tpu.memory_space<vmem>> -> memref<640x64xf32, #tpu.memory_space<vmem>>
      tpu.wait_dma2 semaphore(%dma_wait3A_450 : memref<!tpu.dma_semaphore, #tpu.memory_space<semaphore_mem>>) src(%dma_wait3A_456 : memref<640x64xf32, #tpu.memory_space<vmem>>) dst(%dma_wait3A_452 : memref<640x64xf32, #tpu.memory_space<hbm>>)
      %mul3A_457 = arith.constant 5 : i32
      %mul3A_458 = arith.muli %mul3A_440, %mul3A_457 : i32
      %add3A_459 = arith.constant 0 : i32
      %add3A_460 = arith.addi %mul3A_458, %add3A_459 : i32
      %dma_start3A_461 = arith.constant 0 : i32
      %dma_start3A_462 = arith.constant 0 : i32
      %dma_start3A_463 = arith.constant 0 : i32
      %dma_start3A_464 = arith.constant 0 : i32
      %dma_start3A_465 = tpu.memref_slice %arg7[%dma_start3A_461, %dma_start3A_463, %dma_start3A_464] : memref<2x640x64xf32, #tpu.memory_space<vmem>> -> memref<1x640x64xf32, #tpu.memory_space<vmem>>
      %dma_start3A_466 = tpu.memref_squeeze %dma_start3A_465 : memref<1x640x64xf32, #tpu.memory_space<vmem>> -> memref<640x64xf32, #tpu.memory_space<vmem>>
      %dma_start3A_467 = arith.constant 0 : i32
      %dma_start3A_468 = arith.constant 0 : i32
      %dma_start3A_469 = tpu.memref_slice %dma_start3A_466[%dma_start3A_467, %dma_start3A_468] : memref<640x64xf32, #tpu.memory_space<vmem>> -> memref<128x64xf32, #tpu.memory_space<vmem>>
      %dma_start3A_470 = arith.constant 0 : i32
      %dma_start3A_471 = tpu.memref_slice %arg6[%add3A_460, %dma_start3A_470] : memref<100x128xi32, #tpu.memory_space<vmem>> -> memref<1x128xi32, #tpu.memory_space<vmem>>
      %dma_start3A_472 = tpu.memref_squeeze %dma_start3A_471 : memref<1x128xi32, #tpu.memory_space<vmem>> -> memref<128xi32, #tpu.memory_space<vmem>>
      %dma_start3A_473 = arith.constant 0 : i32
      %dma_start3A_474 = arith.constant 0 : i32
      %dma_start3A_475 = tpu.memref_slice %arg5[%dma_start3A_473, %dma_start3A_474] : memref<128x64xf32, #tpu.memory_space<vmem_shared>> -> memref<128x64xf32, #tpu.memory_space<vmem_shared>>
      %dma_start3A_476 = tpu.memref_slice %arg8[%dma_start3A_462] : memref<2x!tpu.dma_semaphore, #tpu.memory_space<semaphore_mem>> -> memref<1x!tpu.dma_semaphore, #tpu.memory_space<semaphore_mem>>
      %dma_start3A_477 = tpu.memref_squeeze %dma_start3A_476 : memref<1x!tpu.dma_semaphore, #tpu.memory_space<semaphore_mem>> -> memref<!tpu.dma_semaphore, #tpu.memory_space<semaphore_mem>>
      tpu.enqueue_indirect_dma source(%dma_start3A_475 : memref<128x64xf32, #tpu.memory_space<vmem_shared>>) target(%dma_start3A_469 : memref<128x64xf32, #tpu.memory_space<vmem>>) offsets(%dma_start3A_472 : memref<128xi32, #tpu.memory_space<vmem>>) semaphore(%dma_start3A_477 : memref<!tpu.dma_semaphore, #tpu.memory_space<semaphore_mem>>)
      %add3A_478 = arith.constant 1 : i32
      %add3A_479 = arith.addi %mul3A_458, %add3A_478 : i32
      %dma_start3A_480 = arith.constant 0 : i32
      %dma_start3A_481 = arith.constant 0 : i32
      %dma_start3A_482 = arith.constant 0 : i32
      %dma_start3A_483 = arith.constant 0 : i32
      %dma_start3A_484 = tpu.memref_slice %arg7[%dma_start3A_480, %dma_start3A_482, %dma_start3A_483] : memref<2x640x64xf32, #tpu.memory_space<vmem>> -> memref<1x640x64xf32, #tpu.memory_space<vmem>>
      %dma_start3A_485 = tpu.memref_squeeze %dma_start3A_484 : memref<1x640x64xf32, #tpu.memory_space<vmem>> -> memref<640x64xf32, #tpu.memory_space<vmem>>
      %dma_start3A_486 = arith.constant 128 : i32
      %dma_start3A_487 = arith.constant 0 : i32
      %dma_start3A_488 = tpu.memref_slice %dma_start3A_485[%dma_start3A_486, %dma_start3A_487] : memref<640x64xf32, #tpu.memory_space<vmem>> -> memref<128x64xf32, #tpu.memory_space<vmem>>
      %dma_start3A_489 = arith.constant 0 : i32
      %dma_start3A_490 = tpu.memref_slice %arg6[%add3A_479, %dma_start3A_489] : memref<100x128xi32, #tpu.memory_space<vmem>> -> memref<1x128xi32, #tpu.memory_space<vmem>>
      %dma_start3A_491 = tpu.memref_squeeze %dma_start3A_490 : memref<1x128xi32, #tpu.memory_space<vmem>> -> memref<128xi32, #tpu.memory_space<vmem>>
      %dma_start3A_492 = arith.constant 0 : i32
      %dma_start3A_493 = arith.constant 0 : i32
      %dma_start3A_494 = tpu.memref_slice %arg5[%dma_start3A_492, %dma_start3A_493] : memref<128x64xf32, #tpu.memory_space<vmem_shared>> -> memref<128x64xf32, #tpu.memory_space<vmem_shared>>
      %dma_start3A_495 = tpu.memref_slice %arg8[%dma_start3A_481] : memref<2x!tpu.dma_semaphore, #tpu.memory_space<semaphore_mem>> -> memref<1x!tpu.dma_semaphore, #tpu.memory_space<semaphore_mem>>
      %dma_start3A_496 = tpu.memref_squeeze %dma_start3A_495 : memref<1x!tpu.dma_semaphore, #tpu.memory_space<semaphore_mem>> -> memref<!tpu.dma_semaphore, #tpu.memory_space<semaphore_mem>>
      tpu.enqueue_indirect_dma source(%dma_start3A_494 : memref<128x64xf32, #tpu.memory_space<vmem_shared>>) target(%dma_start3A_488 : memref<128x64xf32, #tpu.memory_space<vmem>>) offsets(%dma_start3A_491 : memref<128xi32, #tpu.memory_space<vmem>>) semaphore(%dma_start3A_496 : memref<!tpu.dma_semaphore, #tpu.memory_space<semaphore_mem>>)
      %add3A_497 = arith.constant 2 : i32
      %add3A_498 = arith.addi %mul3A_458, %add3A_497 : i32
      %dma_start3A_499 = arith.constant 0 : i32
      %dma_start3A_500 = arith.constant 0 : i32
      %dma_start3A_501 = arith.constant 0 : i32
      %dma_start3A_502 = arith.constant 0 : i32
      %dma_start3A_503 = tpu.memref_slice %arg7[%dma_start3A_499, %dma_start3A_501, %dma_start3A_502] : memref<2x640x64xf32, #tpu.memory_space<vmem>> -> memref<1x640x64xf32, #tpu.memory_space<vmem>>
      %dma_start3A_504 = tpu.memref_squeeze %dma_start3A_503 : memref<1x640x64xf32, #tpu.memory_space<vmem>> -> memref<640x64xf32, #tpu.memory_space<vmem>>
      %dma_start3A_505 = arith.constant 256 : i32
      %dma_start3A_506 = arith.constant 0 : i32
      %dma_start3A_507 = tpu.memref_slice %dma_start3A_504[%dma_start3A_505, %dma_start3A_506] : memref<640x64xf32, #tpu.memory_space<vmem>> -> memref<128x64xf32, #tpu.memory_space<vmem>>
      %dma_start3A_508 = arith.constant 0 : i32
      %dma_start3A_509 = tpu.memref_slice %arg6[%add3A_498, %dma_start3A_508] : memref<100x128xi32, #tpu.memory_space<vmem>> -> memref<1x128xi32, #tpu.memory_space<vmem>>
      %dma_start3A_510 = tpu.memref_squeeze %dma_start3A_509 : memref<1x128xi32, #tpu.memory_space<vmem>> -> memref<128xi32, #tpu.memory_space<vmem>>
      %dma_start3A_511 = arith.constant 0 : i32
      %dma_start3A_512 = arith.constant 0 : i32
      %dma_start3A_513 = tpu.memref_slice %arg5[%dma_start3A_511, %dma_start3A_512] : memref<128x64xf32, #tpu.memory_space<vmem_shared>> -> memref<128x64xf32, #tpu.memory_space<vmem_shared>>
      %dma_start3A_514 = tpu.memref_slice %arg8[%dma_start3A_500] : memref<2x!tpu.dma_semaphore, #tpu.memory_space<semaphore_mem>> -> memref<1x!tpu.dma_semaphore, #tpu.memory_space<semaphore_mem>>
      %dma_start3A_515 = tpu.memref_squeeze %dma_start3A_514 : memref<1x!tpu.dma_semaphore, #tpu.memory_space<semaphore_mem>> -> memref<!tpu.dma_semaphore, #tpu.memory_space<semaphore_mem>>
      tpu.enqueue_indirect_dma source(%dma_start3A_513 : memref<128x64xf32, #tpu.memory_space<vmem_shared>>) target(%dma_start3A_507 : memref<128x64xf32, #tpu.memory_space<vmem>>) offsets(%dma_start3A_510 : memref<128xi32, #tpu.memory_space<vmem>>) semaphore(%dma_start3A_515 : memref<!tpu.dma_semaphore, #tpu.memory_space<semaphore_mem>>)
      %add3A_516 = arith.constant 3 : i32
      %add3A_517 = arith.addi %mul3A_458, %add3A_516 : i32
      %dma_start3A_518 = arith.constant 0 : i32
      %dma_start3A_519 = arith.constant 0 : i32
      %dma_start3A_520 = arith.constant 0 : i32
      %dma_start3A_521 = arith.constant 0 : i32
      %dma_start3A_522 = tpu.memref_slice %arg7[%dma_start3A_518, %dma_start3A_520, %dma_start3A_521] : memref<2x640x64xf32, #tpu.memory_space<vmem>> -> memref<1x640x64xf32, #tpu.memory_space<vmem>>
      %dma_start3A_523 = tpu.memref_squeeze %dma_start3A_522 : memref<1x640x64xf32, #tpu.memory_space<vmem>> -> memref<640x64xf32, #tpu.memory_space<vmem>>
      %dma_start3A_524 = arith.constant 384 : i32
      %dma_start3A_525 = arith.constant 0 : i32
      %dma_start3A_526 = tpu.memref_slice %dma_start3A_523[%dma_start3A_524, %dma_start3A_525] : memref<640x64xf32, #tpu.memory_space<vmem>> -> memref<128x64xf32, #tpu.memory_space<vmem>>
      %dma_start3A_527 = arith.constant 0 : i32
      %dma_start3A_528 = tpu.memref_slice %arg6[%add3A_517, %dma_start3A_527] : memref<100x128xi32, #tpu.memory_space<vmem>> -> memref<1x128xi32, #tpu.memory_space<vmem>>
      %dma_start3A_529 = tpu.memref_squeeze %dma_start3A_528 : memref<1x128xi32, #tpu.memory_space<vmem>> -> memref<128xi32, #tpu.memory_space<vmem>>
      %dma_start3A_530 = arith.constant 0 : i32
      %dma_start3A_531 = arith.constant 0 : i32
      %dma_start3A_532 = tpu.memref_slice %arg5[%dma_start3A_530, %dma_start3A_531] : memref<128x64xf32, #tpu.memory_space<vmem_shared>> -> memref<128x64xf32, #tpu.memory_space<vmem_shared>>
      %dma_start3A_533 = tpu.memref_slice %arg8[%dma_start3A_519] : memref<2x!tpu.dma_semaphore, #tpu.memory_space<semaphore_mem>> -> memref<1x!tpu.dma_semaphore, #tpu.memory_space<semaphore_mem>>
      %dma_start3A_534 = tpu.memref_squeeze %dma_start3A_533 : memref<1x!tpu.dma_semaphore, #tpu.memory_space<semaphore_mem>> -> memref<!tpu.dma_semaphore, #tpu.memory_space<semaphore_mem>>
      tpu.enqueue_indirect_dma source(%dma_start3A_532 : memref<128x64xf32, #tpu.memory_space<vmem_shared>>) target(%dma_start3A_526 : memref<128x64xf32, #tpu.memory_space<vmem>>) offsets(%dma_start3A_529 : memref<128xi32, #tpu.memory_space<vmem>>) semaphore(%dma_start3A_534 : memref<!tpu.dma_semaphore, #tpu.memory_space<semaphore_mem>>)
      %add3A_535 = arith.constant 4 : i32
      %add3A_536 = arith.addi %mul3A_458, %add3A_535 : i32
      %dma_start3A_537 = arith.constant 0 : i32
      %dma_start3A_538 = arith.constant 0 : i32
      %dma_start3A_539 = arith.constant 0 : i32
      %dma_start3A_540 = arith.constant 0 : i32
      %dma_start3A_541 = tpu.memref_slice %arg7[%dma_start3A_537, %dma_start3A_539, %dma_start3A_540] : memref<2x640x64xf32, #tpu.memory_space<vmem>> -> memref<1x640x64xf32, #tpu.memory_space<vmem>>
      %dma_start3A_542 = tpu.memref_squeeze %dma_start3A_541 : memref<1x640x64xf32, #tpu.memory_space<vmem>> -> memref<640x64xf32, #tpu.memory_space<vmem>>
      %dma_start3A_543 = arith.constant 512 : i32
      %dma_start3A_544 = arith.constant 0 : i32
      %dma_start3A_545 = tpu.memref_slice %dma_start3A_542[%dma_start3A_543, %dma_start3A_544] : memref<640x64xf32, #tpu.memory_space<vmem>> -> memref<128x64xf32, #tpu.memory_space<vmem>>
      %dma_start3A_546 = arith.constant 0 : i32
      %dma_start3A_547 = tpu.memref_slice %arg6[%add3A_536, %dma_start3A_546] : memref<100x128xi32, #tpu.memory_space<vmem>> -> memref<1x128xi32, #tpu.memory_space<vmem>>
      %dma_start3A_548 = tpu.memref_squeeze %dma_start3A_547 : memref<1x128xi32, #tpu.memory_space<vmem>> -> memref<128xi32, #tpu.memory_space<vmem>>
      %dma_start3A_549 = arith.constant 0 : i32
      %dma_start3A_550 = arith.constant 0 : i32
      %dma_start3A_551 = tpu.memref_slice %arg5[%dma_start3A_549, %dma_start3A_550] : memref<128x64xf32, #tpu.memory_space<vmem_shared>> -> memref<128x64xf32, #tpu.memory_space<vmem_shared>>
      %dma_start3A_552 = tpu.memref_slice %arg8[%dma_start3A_538] : memref<2x!tpu.dma_semaphore, #tpu.memory_space<semaphore_mem>> -> memref<1x!tpu.dma_semaphore, #tpu.memory_space<semaphore_mem>>
      %dma_start3A_553 = tpu.memref_squeeze %dma_start3A_552 : memref<1x!tpu.dma_semaphore, #tpu.memory_space<semaphore_mem>> -> memref<!tpu.dma_semaphore, #tpu.memory_space<semaphore_mem>>
      tpu.enqueue_indirect_dma source(%dma_start3A_551 : memref<128x64xf32, #tpu.memory_space<vmem_shared>>) target(%dma_start3A_545 : memref<128x64xf32, #tpu.memory_space<vmem>>) offsets(%dma_start3A_548 : memref<128xi32, #tpu.memory_space<vmem>>) semaphore(%dma_start3A_553 : memref<!tpu.dma_semaphore, #tpu.memory_space<semaphore_mem>>)
      %dma_wait3A_554 = arith.constant 1 : i32
      %dma_wait3A_555 = arith.constant 1 : i32
      %dma_wait3A_556 = arith.constant 0 : i32
      %dma_wait3A_557 = arith.constant 0 : i32
      %dma_wait3A_558 = tpu.memref_slice %arg7[%dma_wait3A_554, %dma_wait3A_556, %dma_wait3A_557] : memref<2x640x64xf32, #tpu.memory_space<vmem>> -> memref<1x640x64xf32, #tpu.memory_space<vmem>>
      %dma_wait3A_559 = tpu.memref_squeeze %dma_wait3A_558 : memref<1x640x64xf32, #tpu.memory_space<vmem>> -> memref<640x64xf32, #tpu.memory_space<vmem>>
      %dma_wait3A_560 = arith.constant 0 : i32
      %dma_wait3A_561 = tpu.memref_slice %arg4[%mul3A_2, %dma_wait3A_560] : memref<409600x64xf32, #tpu.memory_space<hbm>> -> memref<640x64xf32, #tpu.memory_space<hbm>>
      %dma_wait3A_562 = tpu.memref_slice %arg9[%dma_wait3A_555] : memref<2x!tpu.dma_semaphore, #tpu.memory_space<semaphore_mem>> -> memref<1x!tpu.dma_semaphore, #tpu.memory_space<semaphore_mem>>
      %dma_wait3A_563 = tpu.memref_squeeze %dma_wait3A_562 : memref<1x!tpu.dma_semaphore, #tpu.memory_space<semaphore_mem>> -> memref<!tpu.dma_semaphore, #tpu.memory_space<semaphore_mem>>
      %dma_wait3A_564 = arith.constant 0 : i32
      %dma_wait3A_565 = tpu.memref_slice %arg4[%mul3A_2, %dma_wait3A_564] : memref<409600x64xf32, #tpu.memory_space<hbm>> -> memref<640x64xf32, #tpu.memory_space<hbm>>
      %dma_wait3A_566 = arith.constant 0 : i32
      %dma_wait3A_567 = arith.constant 0 : i32
      %dma_wait3A_568 = tpu.memref_slice %arg7[%dma_wait3A_554, %dma_wait3A_566, %dma_wait3A_567] : memref<2x640x64xf32, #tpu.memory_space<vmem>> -> memref<1x640x64xf32, #tpu.memory_space<vmem>>
      %dma_wait3A_569 = tpu.memref_squeeze %dma_wait3A_568 : memref<1x640x64xf32, #tpu.memory_space<vmem>> -> memref<640x64xf32, #tpu.memory_space<vmem>>
      tpu.wait_dma2 semaphore(%dma_wait3A_563 : memref<!tpu.dma_semaphore, #tpu.memory_space<semaphore_mem>>) src(%dma_wait3A_569 : memref<640x64xf32, #tpu.memory_space<vmem>>) dst(%dma_wait3A_565 : memref<640x64xf32, #tpu.memory_space<hbm>>)
      %add3A_570 = arith.constant 1 : i32
      %add3A_571 = arith.addi %mul3A_440, %add3A_570 : i32
      %mul3A_572 = arith.constant 5 : i32
      %mul3A_573 = arith.muli %add3A_571, %mul3A_572 : i32
      %add3A_574 = arith.constant 0 : i32
      %add3A_575 = arith.addi %mul3A_573, %add3A_574 : i32
      %dma_start3A_576 = arith.constant 1 : i32
      %dma_start3A_577 = arith.constant 1 : i32
      %dma_start3A_578 = arith.constant 0 : i32
      %dma_start3A_579 = arith.constant 0 : i32
      %dma_start3A_580 = tpu.memref_slice %arg7[%dma_start3A_576, %dma_start3A_578, %dma_start3A_579] : memref<2x640x64xf32, #tpu.memory_space<vmem>> -> memref<1x640x64xf32, #tpu.memory_space<vmem>>
      %dma_start3A_581 = tpu.memref_squeeze %dma_start3A_580 : memref<1x640x64xf32, #tpu.memory_space<vmem>> -> memref<640x64xf32, #tpu.memory_space<vmem>>
      %dma_start3A_582 = arith.constant 0 : i32
      %dma_start3A_583 = arith.constant 0 : i32
      %dma_start3A_584 = tpu.memref_slice %dma_start3A_581[%dma_start3A_582, %dma_start3A_583] : memref<640x64xf32, #tpu.memory_space<vmem>> -> memref<128x64xf32, #tpu.memory_space<vmem>>
      %dma_start3A_585 = arith.constant 0 : i32
      %dma_start3A_586 = tpu.memref_slice %arg6[%add3A_575, %dma_start3A_585] : memref<100x128xi32, #tpu.memory_space<vmem>> -> memref<1x128xi32, #tpu.memory_space<vmem>>
      %dma_start3A_587 = tpu.memref_squeeze %dma_start3A_586 : memref<1x128xi32, #tpu.memory_space<vmem>> -> memref<128xi32, #tpu.memory_space<vmem>>
      %dma_start3A_588 = arith.constant 0 : i32
      %dma_start3A_589 = arith.constant 0 : i32
      %dma_start3A_590 = tpu.memref_slice %arg5[%dma_start3A_588, %dma_start3A_589] : memref<128x64xf32, #tpu.memory_space<vmem_shared>> -> memref<128x64xf32, #tpu.memory_space<vmem_shared>>
      %dma_start3A_591 = tpu.memref_slice %arg8[%dma_start3A_577] : memref<2x!tpu.dma_semaphore, #tpu.memory_space<semaphore_mem>> -> memref<1x!tpu.dma_semaphore, #tpu.memory_space<semaphore_mem>>
      %dma_start3A_592 = tpu.memref_squeeze %dma_start3A_591 : memref<1x!tpu.dma_semaphore, #tpu.memory_space<semaphore_mem>> -> memref<!tpu.dma_semaphore, #tpu.memory_space<semaphore_mem>>
      tpu.enqueue_indirect_dma source(%dma_start3A_590 : memref<128x64xf32, #tpu.memory_space<vmem_shared>>) target(%dma_start3A_584 : memref<128x64xf32, #tpu.memory_space<vmem>>) offsets(%dma_start3A_587 : memref<128xi32, #tpu.memory_space<vmem>>) semaphore(%dma_start3A_592 : memref<!tpu.dma_semaphore, #tpu.memory_space<semaphore_mem>>)
      %add3A_593 = arith.constant 1 : i32
      %add3A_594 = arith.addi %mul3A_573, %add3A_593 : i32
      %dma_start3A_595 = arith.constant 1 : i32
      %dma_start3A_596 = arith.constant 1 : i32
      %dma_start3A_597 = arith.constant 0 : i32
      %dma_start3A_598 = arith.constant 0 : i32
      %dma_start3A_599 = tpu.memref_slice %arg7[%dma_start3A_595, %dma_start3A_597, %dma_start3A_598] : memref<2x640x64xf32, #tpu.memory_space<vmem>> -> memref<1x640x64xf32, #tpu.memory_space<vmem>>
      %dma_start3A_600 = tpu.memref_squeeze %dma_start3A_599 : memref<1x640x64xf32, #tpu.memory_space<vmem>> -> memref<640x64xf32, #tpu.memory_space<vmem>>
      %dma_start3A_601 = arith.constant 128 : i32
      %dma_start3A_602 = arith.constant 0 : i32
      %dma_start3A_603 = tpu.memref_slice %dma_start3A_600[%dma_start3A_601, %dma_start3A_602] : memref<640x64xf32, #tpu.memory_space<vmem>> -> memref<128x64xf32, #tpu.memory_space<vmem>>
      %dma_start3A_604 = arith.constant 0 : i32
      %dma_start3A_605 = tpu.memref_slice %arg6[%add3A_594, %dma_start3A_604] : memref<100x128xi32, #tpu.memory_space<vmem>> -> memref<1x128xi32, #tpu.memory_space<vmem>>
      %dma_start3A_606 = tpu.memref_squeeze %dma_start3A_605 : memref<1x128xi32, #tpu.memory_space<vmem>> -> memref<128xi32, #tpu.memory_space<vmem>>
      %dma_start3A_607 = arith.constant 0 : i32
      %dma_start3A_608 = arith.constant 0 : i32
      %dma_start3A_609 = tpu.memref_slice %arg5[%dma_start3A_607, %dma_start3A_608] : memref<128x64xf32, #tpu.memory_space<vmem_shared>> -> memref<128x64xf32, #tpu.memory_space<vmem_shared>>
      %dma_start3A_610 = tpu.memref_slice %arg8[%dma_start3A_596] : memref<2x!tpu.dma_semaphore, #tpu.memory_space<semaphore_mem>> -> memref<1x!tpu.dma_semaphore, #tpu.memory_space<semaphore_mem>>
      %dma_start3A_611 = tpu.memref_squeeze %dma_start3A_610 : memref<1x!tpu.dma_semaphore, #tpu.memory_space<semaphore_mem>> -> memref<!tpu.dma_semaphore, #tpu.memory_space<semaphore_mem>>
      tpu.enqueue_indirect_dma source(%dma_start3A_609 : memref<128x64xf32, #tpu.memory_space<vmem_shared>>) target(%dma_start3A_603 : memref<128x64xf32, #tpu.memory_space<vmem>>) offsets(%dma_start3A_606 : memref<128xi32, #tpu.memory_space<vmem>>) semaphore(%dma_start3A_611 : memref<!tpu.dma_semaphore, #tpu.memory_space<semaphore_mem>>)
      %add3A_612 = arith.constant 2 : i32
      %add3A_613 = arith.addi %mul3A_573, %add3A_612 : i32
      %dma_start3A_614 = arith.constant 1 : i32
      %dma_start3A_615 = arith.constant 1 : i32
      %dma_start3A_616 = arith.constant 0 : i32
      %dma_start3A_617 = arith.constant 0 : i32
      %dma_start3A_618 = tpu.memref_slice %arg7[%dma_start3A_614, %dma_start3A_616, %dma_start3A_617] : memref<2x640x64xf32, #tpu.memory_space<vmem>> -> memref<1x640x64xf32, #tpu.memory_space<vmem>>
      %dma_start3A_619 = tpu.memref_squeeze %dma_start3A_618 : memref<1x640x64xf32, #tpu.memory_space<vmem>> -> memref<640x64xf32, #tpu.memory_space<vmem>>
      %dma_start3A_620 = arith.constant 256 : i32
      %dma_start3A_621 = arith.constant 0 : i32
      %dma_start3A_622 = tpu.memref_slice %dma_start3A_619[%dma_start3A_620, %dma_start3A_621] : memref<640x64xf32, #tpu.memory_space<vmem>> -> memref<128x64xf32, #tpu.memory_space<vmem>>
      %dma_start3A_623 = arith.constant 0 : i32
      %dma_start3A_624 = tpu.memref_slice %arg6[%add3A_613, %dma_start3A_623] : memref<100x128xi32, #tpu.memory_space<vmem>> -> memref<1x128xi32, #tpu.memory_space<vmem>>
      %dma_start3A_625 = tpu.memref_squeeze %dma_start3A_624 : memref<1x128xi32, #tpu.memory_space<vmem>> -> memref<128xi32, #tpu.memory_space<vmem>>
      %dma_start3A_626 = arith.constant 0 : i32
      %dma_start3A_627 = arith.constant 0 : i32
      %dma_start3A_628 = tpu.memref_slice %arg5[%dma_start3A_626, %dma_start3A_627] : memref<128x64xf32, #tpu.memory_space<vmem_shared>> -> memref<128x64xf32, #tpu.memory_space<vmem_shared>>
      %dma_start3A_629 = tpu.memref_slice %arg8[%dma_start3A_615] : memref<2x!tpu.dma_semaphore, #tpu.memory_space<semaphore_mem>> -> memref<1x!tpu.dma_semaphore, #tpu.memory_space<semaphore_mem>>
      %dma_start3A_630 = tpu.memref_squeeze %dma_start3A_629 : memref<1x!tpu.dma_semaphore, #tpu.memory_space<semaphore_mem>> -> memref<!tpu.dma_semaphore, #tpu.memory_space<semaphore_mem>>
      tpu.enqueue_indirect_dma source(%dma_start3A_628 : memref<128x64xf32, #tpu.memory_space<vmem_shared>>) target(%dma_start3A_622 : memref<128x64xf32, #tpu.memory_space<vmem>>) offsets(%dma_start3A_625 : memref<128xi32, #tpu.memory_space<vmem>>) semaphore(%dma_start3A_630 : memref<!tpu.dma_semaphore, #tpu.memory_space<semaphore_mem>>)
      %add3A_631 = arith.constant 3 : i32
      %add3A_632 = arith.addi %mul3A_573, %add3A_631 : i32
      %dma_start3A_633 = arith.constant 1 : i32
      %dma_start3A_634 = arith.constant 1 : i32
      %dma_start3A_635 = arith.constant 0 : i32
      %dma_start3A_636 = arith.constant 0 : i32
      %dma_start3A_637 = tpu.memref_slice %arg7[%dma_start3A_633, %dma_start3A_635, %dma_start3A_636] : memref<2x640x64xf32, #tpu.memory_space<vmem>> -> memref<1x640x64xf32, #tpu.memory_space<vmem>>
      %dma_start3A_638 = tpu.memref_squeeze %dma_start3A_637 : memref<1x640x64xf32, #tpu.memory_space<vmem>> -> memref<640x64xf32, #tpu.memory_space<vmem>>
      %dma_start3A_639 = arith.constant 384 : i32
      %dma_start3A_640 = arith.constant 0 : i32
      %dma_start3A_641 = tpu.memref_slice %dma_start3A_638[%dma_start3A_639, %dma_start3A_640] : memref<640x64xf32, #tpu.memory_space<vmem>> -> memref<128x64xf32, #tpu.memory_space<vmem>>
      %dma_start3A_642 = arith.constant 0 : i32
      %dma_start3A_643 = tpu.memref_slice %arg6[%add3A_632, %dma_start3A_642] : memref<100x128xi32, #tpu.memory_space<vmem>> -> memref<1x128xi32, #tpu.memory_space<vmem>>
      %dma_start3A_644 = tpu.memref_squeeze %dma_start3A_643 : memref<1x128xi32, #tpu.memory_space<vmem>> -> memref<128xi32, #tpu.memory_space<vmem>>
      %dma_start3A_645 = arith.constant 0 : i32
      %dma_start3A_646 = arith.constant 0 : i32
      %dma_start3A_647 = tpu.memref_slice %arg5[%dma_start3A_645, %dma_start3A_646] : memref<128x64xf32, #tpu.memory_space<vmem_shared>> -> memref<128x64xf32, #tpu.memory_space<vmem_shared>>
      %dma_start3A_648 = tpu.memref_slice %arg8[%dma_start3A_634] : memref<2x!tpu.dma_semaphore, #tpu.memory_space<semaphore_mem>> -> memref<1x!tpu.dma_semaphore, #tpu.memory_space<semaphore_mem>>
      %dma_start3A_649 = tpu.memref_squeeze %dma_start3A_648 : memref<1x!tpu.dma_semaphore, #tpu.memory_space<semaphore_mem>> -> memref<!tpu.dma_semaphore, #tpu.memory_space<semaphore_mem>>
      tpu.enqueue_indirect_dma source(%dma_start3A_647 : memref<128x64xf32, #tpu.memory_space<vmem_shared>>) target(%dma_start3A_641 : memref<128x64xf32, #tpu.memory_space<vmem>>) offsets(%dma_start3A_644 : memref<128xi32, #tpu.memory_space<vmem>>) semaphore(%dma_start3A_649 : memref<!tpu.dma_semaphore, #tpu.memory_space<semaphore_mem>>)
      %add3A_650 = arith.constant 4 : i32
      %add3A_651 = arith.addi %mul3A_573, %add3A_650 : i32
      %dma_start3A_652 = arith.constant 1 : i32
      %dma_start3A_653 = arith.constant 1 : i32
      %dma_start3A_654 = arith.constant 0 : i32
      %dma_start3A_655 = arith.constant 0 : i32
      %dma_start3A_656 = tpu.memref_slice %arg7[%dma_start3A_652, %dma_start3A_654, %dma_start3A_655] : memref<2x640x64xf32, #tpu.memory_space<vmem>> -> memref<1x640x64xf32, #tpu.memory_space<vmem>>
      %dma_start3A_657 = tpu.memref_squeeze %dma_start3A_656 : memref<1x640x64xf32, #tpu.memory_space<vmem>> -> memref<640x64xf32, #tpu.memory_space<vmem>>
      %dma_start3A_658 = arith.constant 512 : i32
      %dma_start3A_659 = arith.constant 0 : i32
      %dma_start3A_660 = tpu.memref_slice %dma_start3A_657[%dma_start3A_658, %dma_start3A_659] : memref<640x64xf32, #tpu.memory_space<vmem>> -> memref<128x64xf32, #tpu.memory_space<vmem>>
      %dma_start3A_661 = arith.constant 0 : i32
      %dma_start3A_662 = tpu.memref_slice %arg6[%add3A_651, %dma_start3A_661] : memref<100x128xi32, #tpu.memory_space<vmem>> -> memref<1x128xi32, #tpu.memory_space<vmem>>
      %dma_start3A_663 = tpu.memref_squeeze %dma_start3A_662 : memref<1x128xi32, #tpu.memory_space<vmem>> -> memref<128xi32, #tpu.memory_space<vmem>>
      %dma_start3A_664 = arith.constant 0 : i32
      %dma_start3A_665 = arith.constant 0 : i32
      %dma_start3A_666 = tpu.memref_slice %arg5[%dma_start3A_664, %dma_start3A_665] : memref<128x64xf32, #tpu.memory_space<vmem_shared>> -> memref<128x64xf32, #tpu.memory_space<vmem_shared>>
      %dma_start3A_667 = tpu.memref_slice %arg8[%dma_start3A_653] : memref<2x!tpu.dma_semaphore, #tpu.memory_space<semaphore_mem>> -> memref<1x!tpu.dma_semaphore, #tpu.memory_space<semaphore_mem>>
      %dma_start3A_668 = tpu.memref_squeeze %dma_start3A_667 : memref<1x!tpu.dma_semaphore, #tpu.memory_space<semaphore_mem>> -> memref<!tpu.dma_semaphore, #tpu.memory_space<semaphore_mem>>
      tpu.enqueue_indirect_dma source(%dma_start3A_666 : memref<128x64xf32, #tpu.memory_space<vmem_shared>>) target(%dma_start3A_660 : memref<128x64xf32, #tpu.memory_space<vmem>>) offsets(%dma_start3A_663 : memref<128xi32, #tpu.memory_space<vmem>>) semaphore(%dma_start3A_668 : memref<!tpu.dma_semaphore, #tpu.memory_space<semaphore_mem>>)
      %dma_wait3A_669 = arith.constant 0 : i32
      %dma_wait3A_670 = arith.constant 0 : i32
      %dma_wait3A_671 = arith.constant 0 : i32
      %dma_wait3A_672 = arith.constant 0 : i32
      %dma_wait3A_673 = arith.constant 0 : i32
      %dma_wait3A_674 = tpu.memref_slice %arg7[%dma_wait3A_670, %dma_wait3A_672, %dma_wait3A_673] : memref<2x640x64xf32, #tpu.memory_space<vmem>> -> memref<1x640x64xf32, #tpu.memory_space<vmem>>
      %dma_wait3A_675 = tpu.memref_squeeze %dma_wait3A_674 : memref<1x640x64xf32, #tpu.memory_space<vmem>> -> memref<640x64xf32, #tpu.memory_space<vmem>>
      %dma_wait3A_676 = arith.constant 0 : i32
      %dma_wait3A_677 = arith.constant 0 : i32
      %dma_wait3A_678 = tpu.memref_slice %dma_wait3A_675[%dma_wait3A_676, %dma_wait3A_677] : memref<640x64xf32, #tpu.memory_space<vmem>> -> memref<128x64xf32, #tpu.memory_space<vmem>>
      %dma_wait3A_679 = arith.constant 0 : i32
      %dma_wait3A_680 = tpu.memref_slice %arg6[%dma_wait3A_669, %dma_wait3A_679] : memref<100x128xi32, #tpu.memory_space<vmem>> -> memref<1x128xi32, #tpu.memory_space<vmem>>
      %dma_wait3A_681 = tpu.memref_squeeze %dma_wait3A_680 : memref<1x128xi32, #tpu.memory_space<vmem>> -> memref<128xi32, #tpu.memory_space<vmem>>
      %dma_wait3A_682 = arith.constant 0 : i32
      %dma_wait3A_683 = arith.constant 0 : i32
      %dma_wait3A_684 = tpu.memref_slice %arg5[%dma_wait3A_682, %dma_wait3A_683] : memref<128x64xf32, #tpu.memory_space<vmem_shared>> -> memref<128x64xf32, #tpu.memory_space<vmem_shared>>
      %dma_wait3A_685 = tpu.memref_slice %arg8[%dma_wait3A_671] : memref<2x!tpu.dma_semaphore, #tpu.memory_space<semaphore_mem>> -> memref<1x!tpu.dma_semaphore, #tpu.memory_space<semaphore_mem>>
      %dma_wait3A_686 = tpu.memref_squeeze %dma_wait3A_685 : memref<1x!tpu.dma_semaphore, #tpu.memory_space<semaphore_mem>> -> memref<!tpu.dma_semaphore, #tpu.memory_space<semaphore_mem>>
      tpu.wait_indirect_dma semaphore(%dma_wait3A_686 : memref<!tpu.dma_semaphore, #tpu.memory_space<semaphore_mem>>) src(%dma_wait3A_684 : memref<128x64xf32, #tpu.memory_space<vmem_shared>>) dst(%dma_wait3A_678 : memref<128x64xf32, #tpu.memory_space<vmem>>)
      %dma_wait3A_687 = arith.constant 0 : i32
      %dma_wait3A_688 = arith.constant 0 : i32
      %dma_wait3A_689 = arith.constant 0 : i32
      %dma_wait3A_690 = arith.constant 0 : i32
      %dma_wait3A_691 = arith.constant 0 : i32
      %dma_wait3A_692 = tpu.memref_slice %arg7[%dma_wait3A_688, %dma_wait3A_690, %dma_wait3A_691] : memref<2x640x64xf32, #tpu.memory_space<vmem>> -> memref<1x640x64xf32, #tpu.memory_space<vmem>>
      %dma_wait3A_693 = tpu.memref_squeeze %dma_wait3A_692 : memref<1x640x64xf32, #tpu.memory_space<vmem>> -> memref<640x64xf32, #tpu.memory_space<vmem>>
      %dma_wait3A_694 = arith.constant 0 : i32
      %dma_wait3A_695 = arith.constant 0 : i32
      %dma_wait3A_696 = tpu.memref_slice %dma_wait3A_693[%dma_wait3A_694, %dma_wait3A_695] : memref<640x64xf32, #tpu.memory_space<vmem>> -> memref<128x64xf32, #tpu.memory_space<vmem>>
      %dma_wait3A_697 = arith.constant 0 : i32
      %dma_wait3A_698 = tpu.memref_slice %arg6[%dma_wait3A_687, %dma_wait3A_697] : memref<100x128xi32, #tpu.memory_space<vmem>> -> memref<1x128xi32, #tpu.memory_space<vmem>>
      %dma_wait3A_699 = tpu.memref_squeeze %dma_wait3A_698 : memref<1x128xi32, #tpu.memory_space<vmem>> -> memref<128xi32, #tpu.memory_space<vmem>>
      %dma_wait3A_700 = arith.constant 0 : i32
      %dma_wait3A_701 = arith.constant 0 : i32
      %dma_wait3A_702 = tpu.memref_slice %arg5[%dma_wait3A_700, %dma_wait3A_701] : memref<128x64xf32, #tpu.memory_space<vmem_shared>> -> memref<128x64xf32, #tpu.memory_space<vmem_shared>>
      %dma_wait3A_703 = tpu.memref_slice %arg8[%dma_wait3A_689] : memref<2x!tpu.dma_semaphore, #tpu.memory_space<semaphore_mem>> -> memref<1x!tpu.dma_semaphore, #tpu.memory_space<semaphore_mem>>
      %dma_wait3A_704 = tpu.memref_squeeze %dma_wait3A_703 : memref<1x!tpu.dma_semaphore, #tpu.memory_space<semaphore_mem>> -> memref<!tpu.dma_semaphore, #tpu.memory_space<semaphore_mem>>
      tpu.wait_indirect_dma semaphore(%dma_wait3A_704 : memref<!tpu.dma_semaphore, #tpu.memory_space<semaphore_mem>>) src(%dma_wait3A_702 : memref<128x64xf32, #tpu.memory_space<vmem_shared>>) dst(%dma_wait3A_696 : memref<128x64xf32, #tpu.memory_space<vmem>>)
      %dma_wait3A_705 = arith.constant 0 : i32
      %dma_wait3A_706 = arith.constant 0 : i32
      %dma_wait3A_707 = arith.constant 0 : i32
      %dma_wait3A_708 = arith.constant 0 : i32
      %dma_wait3A_709 = arith.constant 0 : i32
      %dma_wait3A_710 = tpu.memref_slice %arg7[%dma_wait3A_706, %dma_wait3A_708, %dma_wait3A_709] : memref<2x640x64xf32, #tpu.memory_space<vmem>> -> memref<1x640x64xf32, #tpu.memory_space<vmem>>
      %dma_wait3A_711 = tpu.memref_squeeze %dma_wait3A_710 : memref<1x640x64xf32, #tpu.memory_space<vmem>> -> memref<640x64xf32, #tpu.memory_space<vmem>>
      %dma_wait3A_712 = arith.constant 0 : i32
      %dma_wait3A_713 = arith.constant 0 : i32
      %dma_wait3A_714 = tpu.memref_slice %dma_wait3A_711[%dma_wait3A_712, %dma_wait3A_713] : memref<640x64xf32, #tpu.memory_space<vmem>> -> memref<128x64xf32, #tpu.memory_space<vmem>>
      %dma_wait3A_715 = arith.constant 0 : i32
      %dma_wait3A_716 = tpu.memref_slice %arg6[%dma_wait3A_705, %dma_wait3A_715] : memref<100x128xi32, #tpu.memory_space<vmem>> -> memref<1x128xi32, #tpu.memory_space<vmem>>
      %dma_wait3A_717 = tpu.memref_squeeze %dma_wait3A_716 : memref<1x128xi32, #tpu.memory_space<vmem>> -> memref<128xi32, #tpu.memory_space<vmem>>
      %dma_wait3A_718 = arith.constant 0 : i32
      %dma_wait3A_719 = arith.constant 0 : i32
      %dma_wait3A_720 = tpu.memref_slice %arg5[%dma_wait3A_718, %dma_wait3A_719] : memref<128x64xf32, #tpu.memory_space<vmem_shared>> -> memref<128x64xf32, #tpu.memory_space<vmem_shared>>
      %dma_wait3A_721 = tpu.memref_slice %arg8[%dma_wait3A_707] : memref<2x!tpu.dma_semaphore, #tpu.memory_space<semaphore_mem>> -> memref<1x!tpu.dma_semaphore, #tpu.memory_space<semaphore_mem>>
      %dma_wait3A_722 = tpu.memref_squeeze %dma_wait3A_721 : memref<1x!tpu.dma_semaphore, #tpu.memory_space<semaphore_mem>> -> memref<!tpu.dma_semaphore, #tpu.memory_space<semaphore_mem>>
      tpu.wait_indirect_dma semaphore(%dma_wait3A_722 : memref<!tpu.dma_semaphore, #tpu.memory_space<semaphore_mem>>) src(%dma_wait3A_720 : memref<128x64xf32, #tpu.memory_space<vmem_shared>>) dst(%dma_wait3A_714 : memref<128x64xf32, #tpu.memory_space<vmem>>)
      %dma_wait3A_723 = arith.constant 0 : i32
      %dma_wait3A_724 = arith.constant 0 : i32
      %dma_wait3A_725 = arith.constant 0 : i32
      %dma_wait3A_726 = arith.constant 0 : i32
      %dma_wait3A_727 = arith.constant 0 : i32
      %dma_wait3A_728 = tpu.memref_slice %arg7[%dma_wait3A_724, %dma_wait3A_726, %dma_wait3A_727] : memref<2x640x64xf32, #tpu.memory_space<vmem>> -> memref<1x640x64xf32, #tpu.memory_space<vmem>>
      %dma_wait3A_729 = tpu.memref_squeeze %dma_wait3A_728 : memref<1x640x64xf32, #tpu.memory_space<vmem>> -> memref<640x64xf32, #tpu.memory_space<vmem>>
      %dma_wait3A_730 = arith.constant 0 : i32
      %dma_wait3A_731 = arith.constant 0 : i32
      %dma_wait3A_732 = tpu.memref_slice %dma_wait3A_729[%dma_wait3A_730, %dma_wait3A_731] : memref<640x64xf32, #tpu.memory_space<vmem>> -> memref<128x64xf32, #tpu.memory_space<vmem>>
      %dma_wait3A_733 = arith.constant 0 : i32
      %dma_wait3A_734 = tpu.memref_slice %arg6[%dma_wait3A_723, %dma_wait3A_733] : memref<100x128xi32, #tpu.memory_space<vmem>> -> memref<1x128xi32, #tpu.memory_space<vmem>>
      %dma_wait3A_735 = tpu.memref_squeeze %dma_wait3A_734 : memref<1x128xi32, #tpu.memory_space<vmem>> -> memref<128xi32, #tpu.memory_space<vmem>>
      %dma_wait3A_736 = arith.constant 0 : i32
      %dma_wait3A_737 = arith.constant 0 : i32
      %dma_wait3A_738 = tpu.memref_slice %arg5[%dma_wait3A_736, %dma_wait3A_737] : memref<128x64xf32, #tpu.memory_space<vmem_shared>> -> memref<128x64xf32, #tpu.memory_space<vmem_shared>>
      %dma_wait3A_739 = tpu.memref_slice %arg8[%dma_wait3A_725] : memref<2x!tpu.dma_semaphore, #tpu.memory_space<semaphore_mem>> -> memref<1x!tpu.dma_semaphore, #tpu.memory_space<semaphore_mem>>
      %dma_wait3A_740 = tpu.memref_squeeze %dma_wait3A_739 : memref<1x!tpu.dma_semaphore, #tpu.memory_space<semaphore_mem>> -> memref<!tpu.dma_semaphore, #tpu.memory_space<semaphore_mem>>
      tpu.wait_indirect_dma semaphore(%dma_wait3A_740 : memref<!tpu.dma_semaphore, #tpu.memory_space<semaphore_mem>>) src(%dma_wait3A_738 : memref<128x64xf32, #tpu.memory_space<vmem_shared>>) dst(%dma_wait3A_732 : memref<128x64xf32, #tpu.memory_space<vmem>>)
      %dma_wait3A_741 = arith.constant 0 : i32
      %dma_wait3A_742 = arith.constant 0 : i32
      %dma_wait3A_743 = arith.constant 0 : i32
      %dma_wait3A_744 = arith.constant 0 : i32
      %dma_wait3A_745 = arith.constant 0 : i32
      %dma_wait3A_746 = tpu.memref_slice %arg7[%dma_wait3A_742, %dma_wait3A_744, %dma_wait3A_745] : memref<2x640x64xf32, #tpu.memory_space<vmem>> -> memref<1x640x64xf32, #tpu.memory_space<vmem>>
      %dma_wait3A_747 = tpu.memref_squeeze %dma_wait3A_746 : memref<1x640x64xf32, #tpu.memory_space<vmem>> -> memref<640x64xf32, #tpu.memory_space<vmem>>
      %dma_wait3A_748 = arith.constant 0 : i32
      %dma_wait3A_749 = arith.constant 0 : i32
      %dma_wait3A_750 = tpu.memref_slice %dma_wait3A_747[%dma_wait3A_748, %dma_wait3A_749] : memref<640x64xf32, #tpu.memory_space<vmem>> -> memref<128x64xf32, #tpu.memory_space<vmem>>
      %dma_wait3A_751 = arith.constant 0 : i32
      %dma_wait3A_752 = tpu.memref_slice %arg6[%dma_wait3A_741, %dma_wait3A_751] : memref<100x128xi32, #tpu.memory_space<vmem>> -> memref<1x128xi32, #tpu.memory_space<vmem>>
      %dma_wait3A_753 = tpu.memref_squeeze %dma_wait3A_752 : memref<1x128xi32, #tpu.memory_space<vmem>> -> memref<128xi32, #tpu.memory_space<vmem>>
      %dma_wait3A_754 = arith.constant 0 : i32
      %dma_wait3A_755 = arith.constant 0 : i32
      %dma_wait3A_756 = tpu.memref_slice %arg5[%dma_wait3A_754, %dma_wait3A_755] : memref<128x64xf32, #tpu.memory_space<vmem_shared>> -> memref<128x64xf32, #tpu.memory_space<vmem_shared>>
      %dma_wait3A_757 = tpu.memref_slice %arg8[%dma_wait3A_743] : memref<2x!tpu.dma_semaphore, #tpu.memory_space<semaphore_mem>> -> memref<1x!tpu.dma_semaphore, #tpu.memory_space<semaphore_mem>>
      %dma_wait3A_758 = tpu.memref_squeeze %dma_wait3A_757 : memref<1x!tpu.dma_semaphore, #tpu.memory_space<semaphore_mem>> -> memref<!tpu.dma_semaphore, #tpu.memory_space<semaphore_mem>>
      tpu.wait_indirect_dma semaphore(%dma_wait3A_758 : memref<!tpu.dma_semaphore, #tpu.memory_space<semaphore_mem>>) src(%dma_wait3A_756 : memref<128x64xf32, #tpu.memory_space<vmem_shared>>) dst(%dma_wait3A_750 : memref<128x64xf32, #tpu.memory_space<vmem>>)
      %mul3A_759 = arith.constant 640 : i32
      %mul3A_760 = arith.muli %mul3A_440, %mul3A_759 : i32
      %add3A_761 = arith.addi %mul3A_2, %mul3A_760 : i32
      %dma_start3A_762 = arith.constant 0 : i32
      %dma_start3A_763 = arith.constant 0 : i32
      %dma_start3A_764 = arith.constant 0 : i32
      %dma_start3A_765 = arith.constant 0 : i32
      %dma_start3A_766 = tpu.memref_slice %arg7[%dma_start3A_762, %dma_start3A_764, %dma_start3A_765] : memref<2x640x64xf32, #tpu.memory_space<vmem>> -> memref<1x640x64xf32, #tpu.memory_space<vmem>>
      %dma_start3A_767 = tpu.memref_squeeze %dma_start3A_766 : memref<1x640x64xf32, #tpu.memory_space<vmem>> -> memref<640x64xf32, #tpu.memory_space<vmem>>
      %dma_start3A_768 = arith.constant 0 : i32
      %dma_start3A_769 = tpu.memref_slice %arg4[%add3A_761, %dma_start3A_768] : memref<409600x64xf32, #tpu.memory_space<hbm>> -> memref<640x64xf32, #tpu.memory_space<hbm>>
      %dma_start3A_770 = tpu.memref_slice %arg9[%dma_start3A_763] : memref<2x!tpu.dma_semaphore, #tpu.memory_space<semaphore_mem>> -> memref<1x!tpu.dma_semaphore, #tpu.memory_space<semaphore_mem>>
      %dma_start3A_771 = tpu.memref_squeeze %dma_start3A_770 : memref<1x!tpu.dma_semaphore, #tpu.memory_space<semaphore_mem>> -> memref<!tpu.dma_semaphore, #tpu.memory_space<semaphore_mem>>
      %dma_start3A_772 = arith.constant 0 : i32
      %dma_start3A_773 = tpu.memref_slice %arg4[%add3A_761, %dma_start3A_772] : memref<409600x64xf32, #tpu.memory_space<hbm>> -> memref<640x64xf32, #tpu.memory_space<hbm>>
      %dma_start3A_774 = arith.constant 0 : i32
      %dma_start3A_775 = arith.constant 0 : i32
      %dma_start3A_776 = tpu.memref_slice %arg7[%dma_start3A_762, %dma_start3A_774, %dma_start3A_775] : memref<2x640x64xf32, #tpu.memory_space<vmem>> -> memref<1x640x64xf32, #tpu.memory_space<vmem>>
      %dma_start3A_777 = tpu.memref_squeeze %dma_start3A_776 : memref<1x640x64xf32, #tpu.memory_space<vmem>> -> memref<640x64xf32, #tpu.memory_space<vmem>>
      tpu.enqueue_dma source(%dma_start3A_777 : memref<640x64xf32, #tpu.memory_space<vmem>>) target(%dma_start3A_773 : memref<640x64xf32, #tpu.memory_space<hbm>>) target_semaphore(%dma_start3A_771 : memref<!tpu.dma_semaphore, #tpu.memory_space<semaphore_mem>>)
      %dma_wait3A_778 = arith.constant 0 : i32
      %dma_wait3A_779 = arith.constant 1 : i32
      %dma_wait3A_780 = arith.constant 1 : i32
      %dma_wait3A_781 = arith.constant 0 : i32
      %dma_wait3A_782 = arith.constant 0 : i32
      %dma_wait3A_783 = tpu.memref_slice %arg7[%dma_wait3A_779, %dma_wait3A_781, %dma_wait3A_782] : memref<2x640x64xf32, #tpu.memory_space<vmem>> -> memref<1x640x64xf32, #tpu.memory_space<vmem>>
      %dma_wait3A_784 = tpu.memref_squeeze %dma_wait3A_783 : memref<1x640x64xf32, #tpu.memory_space<vmem>> -> memref<640x64xf32, #tpu.memory_space<vmem>>
      %dma_wait3A_785 = arith.constant 0 : i32
      %dma_wait3A_786 = arith.constant 0 : i32
      %dma_wait3A_787 = tpu.memref_slice %dma_wait3A_784[%dma_wait3A_785, %dma_wait3A_786] : memref<640x64xf32, #tpu.memory_space<vmem>> -> memref<128x64xf32, #tpu.memory_space<vmem>>
      %dma_wait3A_788 = arith.constant 0 : i32
      %dma_wait3A_789 = tpu.memref_slice %arg6[%dma_wait3A_778, %dma_wait3A_788] : memref<100x128xi32, #tpu.memory_space<vmem>> -> memref<1x128xi32, #tpu.memory_space<vmem>>
      %dma_wait3A_790 = tpu.memref_squeeze %dma_wait3A_789 : memref<1x128xi32, #tpu.memory_space<vmem>> -> memref<128xi32, #tpu.memory_space<vmem>>
      %dma_wait3A_791 = arith.constant 0 : i32
      %dma_wait3A_792 = arith.constant 0 : i32
      %dma_wait3A_793 = tpu.memref_slice %arg5[%dma_wait3A_791, %dma_wait3A_792] : memref<128x64xf32, #tpu.memory_space<vmem_shared>> -> memref<128x64xf32, #tpu.memory_space<vmem_shared>>
      %dma_wait3A_794 = tpu.memref_slice %arg8[%dma_wait3A_780] : memref<2x!tpu.dma_semaphore, #tpu.memory_space<semaphore_mem>> -> memref<1x!tpu.dma_semaphore, #tpu.memory_space<semaphore_mem>>
      %dma_wait3A_795 = tpu.memref_squeeze %dma_wait3A_794 : memref<1x!tpu.dma_semaphore, #tpu.memory_space<semaphore_mem>> -> memref<!tpu.dma_semaphore, #tpu.memory_space<semaphore_mem>>
      tpu.wait_indirect_dma semaphore(%dma_wait3A_795 : memref<!tpu.dma_semaphore, #tpu.memory_space<semaphore_mem>>) src(%dma_wait3A_793 : memref<128x64xf32, #tpu.memory_space<vmem_shared>>) dst(%dma_wait3A_787 : memref<128x64xf32, #tpu.memory_space<vmem>>)
      %dma_wait3A_796 = arith.constant 0 : i32
      %dma_wait3A_797 = arith.constant 1 : i32
      %dma_wait3A_798 = arith.constant 1 : i32
      %dma_wait3A_799 = arith.constant 0 : i32
      %dma_wait3A_800 = arith.constant 0 : i32
      %dma_wait3A_801 = tpu.memref_slice %arg7[%dma_wait3A_797, %dma_wait3A_799, %dma_wait3A_800] : memref<2x640x64xf32, #tpu.memory_space<vmem>> -> memref<1x640x64xf32, #tpu.memory_space<vmem>>
      %dma_wait3A_802 = tpu.memref_squeeze %dma_wait3A_801 : memref<1x640x64xf32, #tpu.memory_space<vmem>> -> memref<640x64xf32, #tpu.memory_space<vmem>>
      %dma_wait3A_803 = arith.constant 0 : i32
      %dma_wait3A_804 = arith.constant 0 : i32
      %dma_wait3A_805 = tpu.memref_slice %dma_wait3A_802[%dma_wait3A_803, %dma_wait3A_804] : memref<640x64xf32, #tpu.memory_space<vmem>> -> memref<128x64xf32, #tpu.memory_space<vmem>>
      %dma_wait3A_806 = arith.constant 0 : i32
      %dma_wait3A_807 = tpu.memref_slice %arg6[%dma_wait3A_796, %dma_wait3A_806] : memref<100x128xi32, #tpu.memory_space<vmem>> -> memref<1x128xi32, #tpu.memory_space<vmem>>
      %dma_wait3A_808 = tpu.memref_squeeze %dma_wait3A_807 : memref<1x128xi32, #tpu.memory_space<vmem>> -> memref<128xi32, #tpu.memory_space<vmem>>
      %dma_wait3A_809 = arith.constant 0 : i32
      %dma_wait3A_810 = arith.constant 0 : i32
      %dma_wait3A_811 = tpu.memref_slice %arg5[%dma_wait3A_809, %dma_wait3A_810] : memref<128x64xf32, #tpu.memory_space<vmem_shared>> -> memref<128x64xf32, #tpu.memory_space<vmem_shared>>
      %dma_wait3A_812 = tpu.memref_slice %arg8[%dma_wait3A_798] : memref<2x!tpu.dma_semaphore, #tpu.memory_space<semaphore_mem>> -> memref<1x!tpu.dma_semaphore, #tpu.memory_space<semaphore_mem>>
      %dma_wait3A_813 = tpu.memref_squeeze %dma_wait3A_812 : memref<1x!tpu.dma_semaphore, #tpu.memory_space<semaphore_mem>> -> memref<!tpu.dma_semaphore, #tpu.memory_space<semaphore_mem>>
      tpu.wait_indirect_dma semaphore(%dma_wait3A_813 : memref<!tpu.dma_semaphore, #tpu.memory_space<semaphore_mem>>) src(%dma_wait3A_811 : memref<128x64xf32, #tpu.memory_space<vmem_shared>>) dst(%dma_wait3A_805 : memref<128x64xf32, #tpu.memory_space<vmem>>)
      %dma_wait3A_814 = arith.constant 0 : i32
      %dma_wait3A_815 = arith.constant 1 : i32
      %dma_wait3A_816 = arith.constant 1 : i32
      %dma_wait3A_817 = arith.constant 0 : i32
      %dma_wait3A_818 = arith.constant 0 : i32
      %dma_wait3A_819 = tpu.memref_slice %arg7[%dma_wait3A_815, %dma_wait3A_817, %dma_wait3A_818] : memref<2x640x64xf32, #tpu.memory_space<vmem>> -> memref<1x640x64xf32, #tpu.memory_space<vmem>>
      %dma_wait3A_820 = tpu.memref_squeeze %dma_wait3A_819 : memref<1x640x64xf32, #tpu.memory_space<vmem>> -> memref<640x64xf32, #tpu.memory_space<vmem>>
      %dma_wait3A_821 = arith.constant 0 : i32
      %dma_wait3A_822 = arith.constant 0 : i32
      %dma_wait3A_823 = tpu.memref_slice %dma_wait3A_820[%dma_wait3A_821, %dma_wait3A_822] : memref<640x64xf32, #tpu.memory_space<vmem>> -> memref<128x64xf32, #tpu.memory_space<vmem>>
      %dma_wait3A_824 = arith.constant 0 : i32
      %dma_wait3A_825 = tpu.memref_slice %arg6[%dma_wait3A_814, %dma_wait3A_824] : memref<100x128xi32, #tpu.memory_space<vmem>> -> memref<1x128xi32, #tpu.memory_space<vmem>>
      %dma_wait3A_826 = tpu.memref_squeeze %dma_wait3A_825 : memref<1x128xi32, #tpu.memory_space<vmem>> -> memref<128xi32, #tpu.memory_space<vmem>>
      %dma_wait3A_827 = arith.constant 0 : i32
      %dma_wait3A_828 = arith.constant 0 : i32
      %dma_wait3A_829 = tpu.memref_slice %arg5[%dma_wait3A_827, %dma_wait3A_828] : memref<128x64xf32, #tpu.memory_space<vmem_shared>> -> memref<128x64xf32, #tpu.memory_space<vmem_shared>>
      %dma_wait3A_830 = tpu.memref_slice %arg8[%dma_wait3A_816] : memref<2x!tpu.dma_semaphore, #tpu.memory_space<semaphore_mem>> -> memref<1x!tpu.dma_semaphore, #tpu.memory_space<semaphore_mem>>
      %dma_wait3A_831 = tpu.memref_squeeze %dma_wait3A_830 : memref<1x!tpu.dma_semaphore, #tpu.memory_space<semaphore_mem>> -> memref<!tpu.dma_semaphore, #tpu.memory_space<semaphore_mem>>
      tpu.wait_indirect_dma semaphore(%dma_wait3A_831 : memref<!tpu.dma_semaphore, #tpu.memory_space<semaphore_mem>>) src(%dma_wait3A_829 : memref<128x64xf32, #tpu.memory_space<vmem_shared>>) dst(%dma_wait3A_823 : memref<128x64xf32, #tpu.memory_space<vmem>>)
      %dma_wait3A_832 = arith.constant 0 : i32
      %dma_wait3A_833 = arith.constant 1 : i32
      %dma_wait3A_834 = arith.constant 1 : i32
      %dma_wait3A_835 = arith.constant 0 : i32
      %dma_wait3A_836 = arith.constant 0 : i32
      %dma_wait3A_837 = tpu.memref_slice %arg7[%dma_wait3A_833, %dma_wait3A_835, %dma_wait3A_836] : memref<2x640x64xf32, #tpu.memory_space<vmem>> -> memref<1x640x64xf32, #tpu.memory_space<vmem>>
      %dma_wait3A_838 = tpu.memref_squeeze %dma_wait3A_837 : memref<1x640x64xf32, #tpu.memory_space<vmem>> -> memref<640x64xf32, #tpu.memory_space<vmem>>
      %dma_wait3A_839 = arith.constant 0 : i32
      %dma_wait3A_840 = arith.constant 0 : i32
      %dma_wait3A_841 = tpu.memref_slice %dma_wait3A_838[%dma_wait3A_839, %dma_wait3A_840] : memref<640x64xf32, #tpu.memory_space<vmem>> -> memref<128x64xf32, #tpu.memory_space<vmem>>
      %dma_wait3A_842 = arith.constant 0 : i32
      %dma_wait3A_843 = tpu.memref_slice %arg6[%dma_wait3A_832, %dma_wait3A_842] : memref<100x128xi32, #tpu.memory_space<vmem>> -> memref<1x128xi32, #tpu.memory_space<vmem>>
      %dma_wait3A_844 = tpu.memref_squeeze %dma_wait3A_843 : memref<1x128xi32, #tpu.memory_space<vmem>> -> memref<128xi32, #tpu.memory_space<vmem>>
      %dma_wait3A_845 = arith.constant 0 : i32
      %dma_wait3A_846 = arith.constant 0 : i32
      %dma_wait3A_847 = tpu.memref_slice %arg5[%dma_wait3A_845, %dma_wait3A_846] : memref<128x64xf32, #tpu.memory_space<vmem_shared>> -> memref<128x64xf32, #tpu.memory_space<vmem_shared>>
      %dma_wait3A_848 = tpu.memref_slice %arg8[%dma_wait3A_834] : memref<2x!tpu.dma_semaphore, #tpu.memory_space<semaphore_mem>> -> memref<1x!tpu.dma_semaphore, #tpu.memory_space<semaphore_mem>>
      %dma_wait3A_849 = tpu.memref_squeeze %dma_wait3A_848 : memref<1x!tpu.dma_semaphore, #tpu.memory_space<semaphore_mem>> -> memref<!tpu.dma_semaphore, #tpu.memory_space<semaphore_mem>>
      tpu.wait_indirect_dma semaphore(%dma_wait3A_849 : memref<!tpu.dma_semaphore, #tpu.memory_space<semaphore_mem>>) src(%dma_wait3A_847 : memref<128x64xf32, #tpu.memory_space<vmem_shared>>) dst(%dma_wait3A_841 : memref<128x64xf32, #tpu.memory_space<vmem>>)
      %dma_wait3A_850 = arith.constant 0 : i32
      %dma_wait3A_851 = arith.constant 1 : i32
      %dma_wait3A_852 = arith.constant 1 : i32
      %dma_wait3A_853 = arith.constant 0 : i32
      %dma_wait3A_854 = arith.constant 0 : i32
      %dma_wait3A_855 = tpu.memref_slice %arg7[%dma_wait3A_851, %dma_wait3A_853, %dma_wait3A_854] : memref<2x640x64xf32, #tpu.memory_space<vmem>> -> memref<1x640x64xf32, #tpu.memory_space<vmem>>
      %dma_wait3A_856 = tpu.memref_squeeze %dma_wait3A_855 : memref<1x640x64xf32, #tpu.memory_space<vmem>> -> memref<640x64xf32, #tpu.memory_space<vmem>>
      %dma_wait3A_857 = arith.constant 0 : i32
      %dma_wait3A_858 = arith.constant 0 : i32
      %dma_wait3A_859 = tpu.memref_slice %dma_wait3A_856[%dma_wait3A_857, %dma_wait3A_858] : memref<640x64xf32, #tpu.memory_space<vmem>> -> memref<128x64xf32, #tpu.memory_space<vmem>>
      %dma_wait3A_860 = arith.constant 0 : i32
      %dma_wait3A_861 = tpu.memref_slice %arg6[%dma_wait3A_850, %dma_wait3A_860] : memref<100x128xi32, #tpu.memory_space<vmem>> -> memref<1x128xi32, #tpu.memory_space<vmem>>
      %dma_wait3A_862 = tpu.memref_squeeze %dma_wait3A_861 : memref<1x128xi32, #tpu.memory_space<vmem>> -> memref<128xi32, #tpu.memory_space<vmem>>
      %dma_wait3A_863 = arith.constant 0 : i32
      %dma_wait3A_864 = arith.constant 0 : i32
      %dma_wait3A_865 = tpu.memref_slice %arg5[%dma_wait3A_863, %dma_wait3A_864] : memref<128x64xf32, #tpu.memory_space<vmem_shared>> -> memref<128x64xf32, #tpu.memory_space<vmem_shared>>
      %dma_wait3A_866 = tpu.memref_slice %arg8[%dma_wait3A_852] : memref<2x!tpu.dma_semaphore, #tpu.memory_space<semaphore_mem>> -> memref<1x!tpu.dma_semaphore, #tpu.memory_space<semaphore_mem>>
      %dma_wait3A_867 = tpu.memref_squeeze %dma_wait3A_866 : memref<1x!tpu.dma_semaphore, #tpu.memory_space<semaphore_mem>> -> memref<!tpu.dma_semaphore, #tpu.memory_space<semaphore_mem>>
      tpu.wait_indirect_dma semaphore(%dma_wait3A_867 : memref<!tpu.dma_semaphore, #tpu.memory_space<semaphore_mem>>) src(%dma_wait3A_865 : memref<128x64xf32, #tpu.memory_space<vmem_shared>>) dst(%dma_wait3A_859 : memref<128x64xf32, #tpu.memory_space<vmem>>)
      %add3A_868 = arith.constant 1 : i32
      %add3A_869 = arith.addi %mul3A_440, %add3A_868 : i32
      %mul3A_870 = arith.constant 640 : i32
      %mul3A_871 = arith.muli %add3A_869, %mul3A_870 : i32
      %add3A_872 = arith.addi %mul3A_2, %mul3A_871 : i32
      %dma_start3A_873 = arith.constant 1 : i32
      %dma_start3A_874 = arith.constant 1 : i32
      %dma_start3A_875 = arith.constant 0 : i32
      %dma_start3A_876 = arith.constant 0 : i32
      %dma_start3A_877 = tpu.memref_slice %arg7[%dma_start3A_873, %dma_start3A_875, %dma_start3A_876] : memref<2x640x64xf32, #tpu.memory_space<vmem>> -> memref<1x640x64xf32, #tpu.memory_space<vmem>>
      %dma_start3A_878 = tpu.memref_squeeze %dma_start3A_877 : memref<1x640x64xf32, #tpu.memory_space<vmem>> -> memref<640x64xf32, #tpu.memory_space<vmem>>
      %dma_start3A_879 = arith.constant 0 : i32
      %dma_start3A_880 = tpu.memref_slice %arg4[%add3A_872, %dma_start3A_879] : memref<409600x64xf32, #tpu.memory_space<hbm>> -> memref<640x64xf32, #tpu.memory_space<hbm>>
      %dma_start3A_881 = tpu.memref_slice %arg9[%dma_start3A_874] : memref<2x!tpu.dma_semaphore, #tpu.memory_space<semaphore_mem>> -> memref<1x!tpu.dma_semaphore, #tpu.memory_space<semaphore_mem>>
      %dma_start3A_882 = tpu.memref_squeeze %dma_start3A_881 : memref<1x!tpu.dma_semaphore, #tpu.memory_space<semaphore_mem>> -> memref<!tpu.dma_semaphore, #tpu.memory_space<semaphore_mem>>
      %dma_start3A_883 = arith.constant 0 : i32
      %dma_start3A_884 = tpu.memref_slice %arg4[%add3A_872, %dma_start3A_883] : memref<409600x64xf32, #tpu.memory_space<hbm>> -> memref<640x64xf32, #tpu.memory_space<hbm>>
      %dma_start3A_885 = arith.constant 0 : i32
      %dma_start3A_886 = arith.constant 0 : i32
      %dma_start3A_887 = tpu.memref_slice %arg7[%dma_start3A_873, %dma_start3A_885, %dma_start3A_886] : memref<2x640x64xf32, #tpu.memory_space<vmem>> -> memref<1x640x64xf32, #tpu.memory_space<vmem>>
      %dma_start3A_888 = tpu.memref_squeeze %dma_start3A_887 : memref<1x640x64xf32, #tpu.memory_space<vmem>> -> memref<640x64xf32, #tpu.memory_space<vmem>>
      tpu.enqueue_dma source(%dma_start3A_888 : memref<640x64xf32, #tpu.memory_space<vmem>>) target(%dma_start3A_884 : memref<640x64xf32, #tpu.memory_space<hbm>>) target_semaphore(%dma_start3A_882 : memref<!tpu.dma_semaphore, #tpu.memory_space<semaphore_mem>>)
    }
    %scan3A_405 = arith.constant 9 : i32
    %dma_wait3A_406 = arith.constant 0 : i32
    %dma_wait3A_407 = arith.constant 0 : i32
    %dma_wait3A_408 = arith.constant 0 : i32
    %dma_wait3A_409 = arith.constant 0 : i32
    %dma_wait3A_410 = tpu.memref_slice %arg7[%dma_wait3A_406, %dma_wait3A_408, %dma_wait3A_409] : memref<2x640x64xf32, #tpu.memory_space<vmem>> -> memref<1x640x64xf32, #tpu.memory_space<vmem>>
    %dma_wait3A_411 = tpu.memref_squeeze %dma_wait3A_410 : memref<1x640x64xf32, #tpu.memory_space<vmem>> -> memref<640x64xf32, #tpu.memory_space<vmem>>
    %dma_wait3A_412 = arith.constant 0 : i32
    %dma_wait3A_413 = tpu.memref_slice %arg4[%mul3A_2, %dma_wait3A_412] : memref<409600x64xf32, #tpu.memory_space<hbm>> -> memref<640x64xf32, #tpu.memory_space<hbm>>
    %dma_wait3A_414 = tpu.memref_slice %arg9[%dma_wait3A_407] : memref<2x!tpu.dma_semaphore, #tpu.memory_space<semaphore_mem>> -> memref<1x!tpu.dma_semaphore, #tpu.memory_space<semaphore_mem>>
    %dma_wait3A_415 = tpu.memref_squeeze %dma_wait3A_414 : memref<1x!tpu.dma_semaphore, #tpu.memory_space<semaphore_mem>> -> memref<!tpu.dma_semaphore, #tpu.memory_space<semaphore_mem>>
    %dma_wait3A_416 = arith.constant 0 : i32
    %dma_wait3A_417 = tpu.memref_slice %arg4[%mul3A_2, %dma_wait3A_416] : memref<409600x64xf32, #tpu.memory_space<hbm>> -> memref<640x64xf32, #tpu.memory_space<hbm>>
    %dma_wait3A_418 = arith.constant 0 : i32
    %dma_wait3A_419 = arith.constant 0 : i32
    %dma_wait3A_420 = tpu.memref_slice %arg7[%dma_wait3A_406, %dma_wait3A_418, %dma_wait3A_419] : memref<2x640x64xf32, #tpu.memory_space<vmem>> -> memref<1x640x64xf32, #tpu.memory_space<vmem>>
    %dma_wait3A_421 = tpu.memref_squeeze %dma_wait3A_420 : memref<1x640x64xf32, #tpu.memory_space<vmem>> -> memref<640x64xf32, #tpu.memory_space<vmem>>
    tpu.wait_dma2 semaphore(%dma_wait3A_415 : memref<!tpu.dma_semaphore, #tpu.memory_space<semaphore_mem>>) src(%dma_wait3A_421 : memref<640x64xf32, #tpu.memory_space<vmem>>) dst(%dma_wait3A_417 : memref<640x64xf32, #tpu.memory_space<hbm>>)
    %dma_wait3A_422 = arith.constant 1 : i32
    %dma_wait3A_423 = arith.constant 1 : i32
    %dma_wait3A_424 = arith.constant 0 : i32
    %dma_wait3A_425 = arith.constant 0 : i32
    %dma_wait3A_426 = tpu.memref_slice %arg7[%dma_wait3A_422, %dma_wait3A_424, %dma_wait3A_425] : memref<2x640x64xf32, #tpu.memory_space<vmem>> -> memref<1x640x64xf32, #tpu.memory_space<vmem>>
    %dma_wait3A_427 = tpu.memref_squeeze %dma_wait3A_426 : memref<1x640x64xf32, #tpu.memory_space<vmem>> -> memref<640x64xf32, #tpu.memory_space<vmem>>
    %dma_wait3A_428 = arith.constant 0 : i32
    %dma_wait3A_429 = tpu.memref_slice %arg4[%mul3A_2, %dma_wait3A_428] : memref<409600x64xf32, #tpu.memory_space<hbm>> -> memref<640x64xf32, #tpu.memory_space<hbm>>
    %dma_wait3A_430 = tpu.memref_slice %arg9[%dma_wait3A_423] : memref<2x!tpu.dma_semaphore, #tpu.memory_space<semaphore_mem>> -> memref<1x!tpu.dma_semaphore, #tpu.memory_space<semaphore_mem>>
    %dma_wait3A_431 = tpu.memref_squeeze %dma_wait3A_430 : memref<1x!tpu.dma_semaphore, #tpu.memory_space<semaphore_mem>> -> memref<!tpu.dma_semaphore, #tpu.memory_space<semaphore_mem>>
    %dma_wait3A_432 = arith.constant 0 : i32
    %dma_wait3A_433 = tpu.memref_slice %arg4[%mul3A_2, %dma_wait3A_432] : memref<409600x64xf32, #tpu.memory_space<hbm>> -> memref<640x64xf32, #tpu.memory_space<hbm>>
    %dma_wait3A_434 = arith.constant 0 : i32
    %dma_wait3A_435 = arith.constant 0 : i32
    %dma_wait3A_436 = tpu.memref_slice %arg7[%dma_wait3A_422, %dma_wait3A_434, %dma_wait3A_435] : memref<2x640x64xf32, #tpu.memory_space<vmem>> -> memref<1x640x64xf32, #tpu.memory_space<vmem>>
    %dma_wait3A_437 = tpu.memref_squeeze %dma_wait3A_436 : memref<1x640x64xf32, #tpu.memory_space<vmem>> -> memref<640x64xf32, #tpu.memory_space<vmem>>
    tpu.wait_dma2 semaphore(%dma_wait3A_431 : memref<!tpu.dma_semaphore, #tpu.memory_space<semaphore_mem>>) src(%dma_wait3A_437 : memref<640x64xf32, #tpu.memory_space<vmem>>) dst(%dma_wait3A_433 : memref<640x64xf32, #tpu.memory_space<hbm>>)
    return
  }
}

</mosaic_0001>

<sc_bundles>
// kernel: _embed_flat.3.cloned.1.call-start
scs
__scs_entry_jumppad:
0x0: {  	(pc) =	sbr.rel $0x88, $3  }
0x1: {  	(tag) =	ssettag $0x0;
	lr =	simm.s32 $0x1  }
0x2: {  	[smem:$0x3F9F] =	sst lr;
	_ =	strace $0xD0000000  }
0x3: {  	_ = 	snop  }
0x4: {  	_ = 	snop  }
0x5: {  	_ = 	snop  }
0x6: {  	_ = 	snop  }
0x7: {  	_ = 	snop  }
__scs_overlays_trampoline_lowered:
0x8: {  	[smem:$0x3FAE] =	sst s0  }
0x9: {  	[smem:$0x3FAF] =	sst s1  }
0xa: {  	[smem:$0x3FB0] =	sst s2  }
0xb: {  	[smem:$0x3FB1] =	sst s3  }
0xc: {  	[smem:$0x3FB2] =	sst s4  }
0xd: {  	[smem:$0x3FB3] =	sst s5  }
0xe: {  	[smem:$0x3FB4] =	sst s6  }
0xf: {  	[smem:$0x3FB5] =	sst s7  }
0x10: {  	[smem:$0x3FB6] =	sst s8  }
0x11: {  	[smem:$0x3FB7] =	sst s9;
	s0 =	simm.s32 @!p0 $0x0  }
0x12: {  	s1 =	sld [smem:$0x3F9D];
	s0 =	simm.s32 @p0 $0x1  }
0x13: {  	[smem:$0x3FB8] =	sst s0;
	s0 =	simm.s32 @!p1 $0x0  }
0x14: {  	s2 =	sld [smem:$0x3F9C];
	s0 =	simm.s32 @p1 $0x1  }
0x15: {  	[smem:$0x3FB9] =	sst s0;
	s0 =	simm.s32 @!p2 $0x0  }
0x16: {  	s3 =	sld [smem:$0x3FDB];
	s0 =	simm.s32 @p2 $0x1  }
0x17: {  	s4 =	simm.s32 $0x1BF5;
	[smem:$0x3FBB] =	sst s0  }
0x18: {  	s0 =	sld [smem:$0x3F9E];
	_ =	swait.ge [sflag:s4], $0x0  }
0x19: {  	s7 =	sld [smem:$0x3F9F]  }
0x1a: {  	s8 =	sadd.s32 $0xFFFFE003, lr  }
0x1b: {  	s9 =	sadd.s32 $0xFFFFFEF7, lr;
	s5 =	simm.s32 $0xFFFFFFFF;
	p2 =	slt.u32 s8, $0xFFFFF086  }
0x1c: {  	p1 =	slt.u32 s9, $0xF7A;
	s5 =	simm.s32 @!p2 $0x0  }
0x1d: {  	s5 =	simm.s32 @p1 $0x1;
	p0 =	seq.s32 s7, s2  }
0x1e: {  	s7 =	smul.u32 @!p0 $0xF7A, s2;
	p2 =	seq.s32 @!p0 s5, $0x0  }
0x1f: {  	s9 =	smul.u32 $0xF7A, s1;
	s8 =	simm.s32 @!p0 $0x1BF5;
	p2 =	por !p2, p0  }
0x20: {  	[sflag:s8] =	ssyncset.s32 @!p0 $0xFFFFF086;
	s6 =	sadd.s32 @!p0 s3, s7;
	s7 =	simm.s32 @!p0 $0x108  }
0x21: {  	s3 =	sadd.s32 s3, s9;
	s6 =	sadd.s32 @!p0 $0x88, s6;
	s7 =	simm.s32 @p2 $0x1082  }
0x22: {  	[simem:s7], [sflag:s8] =	dma.local @!p0 [hbm:s6], $0xF7A  }
0x23: {  	s9 =	sor.u32 $0xD0000000, s2;
	s6 =	simm.s32 $0x108;
	_ =	swait.ge @!p0 [sflag:s8], $0x0  }
0x24: {  	s3 =	sadd.s32 $0x88, s3;
	s6 =	simm.s32 @!p1 $0x1082;
	[sflag:s4] =	ssyncset.s32 $0xFFFFF086  }
0x25: {  	[simem:s6], [sflag:s4] =	dma.local [hbm:s3], $0xF7A  }
0x26: {  	[smem:$0x3F9F] =	sst s1;
	(tag) =	ssettag s2;
	_ =	strace s9  }
0x27: {  	s1 =	sld [smem:$0x3FAF]  }
0x28: {  	s2 =	sld [smem:$0x3FB0]  }
0x29: {  	s4 =	sld [smem:$0x3FB2]  }
0x2a: {  	p0 =	seq.s32 s5, $0x0;
	s5 =	sld [smem:$0x3FB3]  }
0x2b: {  	s6 =	sld [smem:$0x3FB4]  }
0x2c: {  	s7 =	sld [smem:$0x3FB5]  }
0x2d: {  	s3 =	simm.s32 $0x108;
	s8 =	sld [smem:$0x3FB6]  }
0x2e: {  	s3 =	simm.s32 @!p0 $0x1082;
	s9 =	sld [smem:$0x3FB7]  }
0x2f: {  	lr =	sadd.s32 s0, s3;
	s0 =	sld [smem:$0x3FAE]  }
0x30: {  	s3 =	sld [smem:$0x3FB1]  }
0x31: {  	[smem:$0x3FBA] =	sst s10  }
0x32: {  	s10 =	sld [smem:$0x3FB8];
	_ =	sdelay $0x3  }
0x33: {  	p0 =	seq.s32 s10, $0x1;
	s10 =	sld [smem:$0x3FBA];
	_ =	sdelay $0x3  }
0x34: {  	[smem:$0x3FBA] =	sst s10  }
0x35: {  	s10 =	sld [smem:$0x3FB9];
	_ =	sdelay $0x3  }
0x36: {  	p1 =	seq.s32 s10, $0x1;
	s10 =	sld [smem:$0x3FBA];
	_ =	sdelay $0x3  }
0x37: {  	[smem:$0x3FBA] =	sst s10  }
0x38: {  	s10 =	sld [smem:$0x3FBB]  }
0x39: {  	_ = 	snop;
	(pc) =	sbr.ind lr, $3  }
0x3a: {  	_ = 	snop  }
0x3b: {  	_ = 	snop  }
0x3c: {  	p2 =	seq.s32 s10, $0x1;
	s10 =	sld [smem:$0x3FBA]  }
0x3d: {  	_ =	shalt  }
0x3e: {  	_ =	shalt  }
0x3f: {  	_ =	shalt  }
0x40: {  	_ =	shalt  }
0x41: {  	_ =	shalt  }
0x42: {  	_ =	shalt  }
0x43: {  	_ =	shalt  }
0x44: {  	_ =	shalt  }
0x45: {  	_ =	shalt  }
0x46: {  	_ =	shalt  }
0x47: {  	_ =	shalt  }
0x48: {  	_ =	shalt  }
0x49: {  	_ =	shalt  }
0x4a: {  	_ =	shalt  }
0x4b: {  	_ =	shalt  }
0x4c: {  	_ =	shalt  }
0x4d: {  	_ =	shalt  }
0x4e: {  	_ =	shalt  }
0x4f: {  	_ =	shalt  }
0x50: {  	_ =	shalt  }
0x51: {  	_ =	shalt  }
0x52: {  	_ =	shalt  }
0x53: {  	_ =	shalt  }
0x54: {  	_ =	shalt  }
0x55: {  	_ =	shalt  }
0x56: {  	_ =	shalt  }
0x57: {  	_ =	shalt  }
0x58: {  	_ =	shalt  }
0x59: {  	_ =	shalt  }
0x5a: {  	_ =	shalt  }
0x5b: {  	_ =	shalt  }
0x5c: {  	_ =	shalt  }
0x5d: {  	_ =	shalt  }
0x5e: {  	_ =	shalt  }
0x5f: {  	_ =	shalt  }
0x60: {  	_ =	shalt  }
0x61: {  	_ =	shalt  }
0x62: {  	_ =	shalt  }
0x63: {  	_ =	shalt  }
0x64: {  	_ =	shalt  }
0x65: {  	_ =	shalt  }
0x66: {  	_ =	shalt  }
0x67: {  	_ =	shalt  }
0x68: {  	_ =	shalt  }
0x69: {  	_ =	shalt  }
0x6a: {  	_ =	shalt  }
0x6b: {  	_ =	shalt  }
0x6c: {  	_ =	shalt  }
0x6d: {  	_ =	shalt  }
0x6e: {  	_ =	shalt  }
0x6f: {  	_ =	shalt  }
0x70: {  	_ =	shalt  }
0x71: {  	_ =	shalt  }
0x72: {  	_ =	shalt  }
0x73: {  	_ =	shalt  }
0x74: {  	_ =	shalt  }
0x75: {  	_ =	shalt  }
0x76: {  	_ =	shalt  }
0x77: {  	_ =	shalt  }
0x78: {  	_ =	shalt  }
0x79: {  	_ =	shalt  }
0x7a: {  	_ =	shalt  }
0x7b: {  	_ =	shalt  }
0x7c: {  	_ =	shalt  }
0x7d: {  	_ =	shalt  }
0x7e: {  	_ =	shalt  }
0x7f: {  	_ =	shalt  }
0x80: {  	_ =	shalt  }
0x81: {  	_ =	shalt  }
0x82: {  	_ =	shalt  }
0x83: {  	_ =	shalt  }
0x84: {  	_ =	shalt  }
0x85: {  	_ =	shalt  }
0x86: {  	_ =	shalt  }
0x87: {  	_ =	shalt  }
.Lfunc_end0:
.L_simem_size_0:
called_computation.1_lowered:
.L_overlay_start_0:
0x88: {  	s2 =	sld [smem:$0x3FD9]  }
0x89: {  	s3 =	sld [smem:$0x3FFE];
	_ =	sdelay $0x1  }
0x8a: {  	s1 =	srdreg.scid  }
0x8b: {  	s0 =	sand.u32 $0x1, s1  }
0x8c: {  	s17 =	sshll.u32 s0, $0xA;
	s2 =	sadd.s32 s3, s2  }
0x8d: {  	s2 =	sadd.s32 s2, s17  }
0x8e: {  	[smem:$0x3FC6] =	sst s2  }
0x8f: {  	_ = 	snop  }
0x90: {  	s2 =	sld [smem:$0x3FC9]  }
0x91: {  	s18 =	sld [smem:$0x3FD0];
	(tm) =	ssettm $0x1  }
0x92: {  	s4 =	sld [smem:$0x3FFB];
	_ =	sdelay $0x3  }
0x93: {  	_ =	strace s4  }
0x94: {  	s4 =	sld [smem:$0x3FFC];
	_ =	sdelay $0x3  }
0x95: {  	_ =	strace s4  }
0x96: {  	s4 =	sld [smem:$0x3FFD];
	_ =	sdelay $0x3  }
0x97: {  	_ =	strace s4  }
0x98: {  	_ =	strace $0x8FFFFFFF  }
0x99: {  	s19 =	sld [smem:$0x3FDB];
	_ =	sdelay $0x1  }
0x9a: {  	s5 =	simm.s32 $_scs_section_size  }
0x9b: {  	s6 =	simm.s32 $_size__tile_overlayer_lowered;
	s7 =	simm.s32 $_tile_overlayer_lowered  }
0x9c: {  	s22 =	simm.s32 $0x1BFF;
	s21 =	sshll.u32 s7, $0x1;
	s4 =	sadd.s32 s5, s19  }
0x9d: {  	s8 =	simm.s32 $0x0;
	s20 =	sshll.u32 s6, $0x1;
	s6 =	sadd.s32 s21, s4  }
0x9e: {  	[timem:s8], [sflag:s22] =	dma.local [hbm:s6], s20  }
0x9f: {  	_ =	swait.ge [sflag:s22], s20  }
0xa0: {  	s5 =	ssub.s32 $0x0, s20;
	[sflag:s22] =	ssyncset.done $0x0  }
0xa1: {  	[sflag:s22] =	ssyncadd.s32 s5;
	_ =	sdelay $0x1  }
0xa2: {  	s23 =	simm.s32 $0x1B8B  }
0xa3: {  	_ =	swait.ge [sflag:s23], $0x1  }
0xa4: {  	[sflag:s23] =	ssyncset.done $0x0  }
0xa5: {  	s25 =	simm.s32 $0x1B8E;
	s24 =	sld [smem:$0x3FFE];
	[sflag:s23] =	ssyncadd.s32 $0xFFFFFFFF  }
0xa6: {  	s26 =	simm.s32 $execute0_lowered;
	[smem:$0x3FD2] =	sst s25  }
0xa7: {  	s6 =	sshll.u32 s26, $0x1;
	_ =	strace $0x80000046;
	[dreg:$0x1] =	wrdreg $0xFFFFFFFF  }
0xa8: {  	s28 =	simm.s32 $_size_execute0_lowered;
	s4 =	sadd.s32 s4, s6;
	[dreg:$0x0] =	wrdreg $0x0  }
0xa9: {  	s6 =	sshll.u32 s28, $0x1;
	[dreg:$0x2] =	wrdreg s4  }
0xaa: {  	[dreg:$0x3] =	wrdreg s6  }
0xab: {  	[dreg:$0x4] =	wrdreg $0xC0  }
0xac: {  	_ =	task [dreg:s8], $0x5FFFF  }
0xad: {  	[dreg:$0x1] =	wrdreg $0xFFFFFFFF  }
0xae: {  	[dreg:$0x0] =	wrdreg $0x60  }
0xaf: {  	[dreg:$0x2] =	wrdreg s24  }
0xb0: {  	[dreg:$0x3] =	wrdreg s2  }
0xb1: {  	[dreg:$0x4] =	wrdreg s18  }
0xb2: {  	[dreg:$0x5] =	wrdreg $0x0  }
0xb3: {  	[dreg:$0x6] =	wrdreg $0x9  }
0xb4: {  	_ =	task.clear_ibuf [dreg:s8], $0x7FFFF;
	_ =	strace $0x90000046  }
0xb5: {  	s29 =	simm.s32 $0x9;
	_ =	strace $0x80000048  }
0xb6: {  	_ =	swait.ge [sflag:s29], $0x1  }
0xb7: {  	[sflag:s29] =	ssyncadd.s32 $0xFFFFFFFF  }
0xb8: {  	_ =	strace $0x90000048  }
0xb9: {  	_ =	sfence  }
0xba: {  	s30 =	sld [smem:$0x0];
	_ =	sdelay $0x2  }
0xbb: {  	s31 =	sshll.u32 s1, $0xD;
	s1 =	sshrl.u32 s1, $0x2  }
0xbc: {  	s3 =	sand.u32 $0x4000, s31;
	s1 =	sadd.s32 s1, s30  }
0xbd: {  	s0 =	sor.u32 s3, s0;
	s1 =	sshll.u32 s1, $0x11  }
0xbe: {  	s0 =	sor.u32 s1, s0  }
0xbf: {  	s0 =	sadd.s32 $0x8F2B, s0  }
0xc0: {  	[sflag:s0] =	ssyncadd.remote.s32 $0x1  }
0xc1: {  	_ =	sfence.sel $0xFFFF  }
0xc2: {  	[dreg:$0x0] =	wrdreg $0xFFFFFFFF;
	(pc) =	sbr.abs _section_cstart, $3  }
0xc3: {  	[dreg:$0x1] =	wrdreg $0xFFFFFFFF  }
0xc4: {  	_ =	task.clear_ibuf [dreg:s8], $0x2FFFF;
	_ =	strace $0x9FFFFFFF  }
0xc5: {  	(tm) =	ssettm $0x7FFFFFFF  }
tec
execute0_lowered:
.L_overlay_start_1:
0x0: {  	(tag) =	ssettag $0x1  }
0x1: {  	s0 =	rddreg [dreg:$0x0]  }
0x2: {  	s3 =	rddreg [dreg:$0x1]  }
0x3: {  	s1 =	srdreg.scid;
	s8 =	stileid.u32  }
0x4: {  	s9 =	rddreg [dreg:$0x2];
	s13 =	simm.s32 $0x80;
	s14 =	simm.s32 $0x3400  }
0x5: {  	s16 =	simm.s32 $0x5400;
	s18 =	simm.s32 $0x7400;
	s20 =	simm.s32 $0x9400  }
0x6: {  	s22 =	simm.s32 $0xB400;
	s29 =	simm.s32 $0x11400;
	s31 =	simm.s32 $0x13400  }
0x7: {  	s15 =	simm.s32 $0x15400;
	s17 =	simm.s32 $0x1;
	s19 =	simm.s32 $0x2  }
0x8: {  	s21 =	simm.s32 $0x3;
	s4 =	sand.u32 $0x1, s1;
	s2 =	sshll.u32 s8, $0x1  }
0x9: {  	s1 =	rddreg [dreg:$0x3];
	s11 =	smul.u32 $0x6400, s8;
	s0 =	sadd.s32 $0x800, s0  }
0xa: {  	p0 =	sne.s32 s8, $0x0;
	s5 =	sor.u32 s4, s2;
	s12 =	smul.u32 $0x3200, s4  }
0xb: {  	s2 =	simm.s32 $0x0;
	s10 =	ssub.s32 $0x2, s4;
	s6 =	smul.u32 $0x640, s5  }
0xc: {  	[smem:$0x7FF] =	sst s2;
	s7 =	smul.u32 $0xC8000, s5;
	s23 =	sshrl.u32 s10, $0x1  }
0xd: {  	s5 =	smul.u32 $0x19000, s5;
	_ =	strace $0x80000047;
	[dreg:$0x5] =	wrdreg s0  }
0xe: {  	s0 =	ssub.s32 s10, s23;
	s25 =	sadd.s32 s12, s11;
	s10 =	sshrl.u32 @!p0 s1, $0x3  }
0xf: {  	s11 =	simm.s32 $0x200;
	s12 =	simm.s32 $0x5;
	s23 =	simm.s32 $0x4  }
0x10: {  	s7 =	sshrl.u32 s7, $0x3;
	s3 =	sadd.s32 s3, s6;
	s26 =	sadd.s32 s9, s5  }
0x11: {  	s28 =	sshll.u32 s25, $0x3;
	s25 =	simm.s32 $0x0;
	[dreg:$0x6] =	wrdreg s3  }
0x12: {  	s24 =	sadd.s32 s9, s7;
	[dreg:$0x7] =	wrdreg s26;
	s7 =	smax.u32 s0, $0x1  }
0x13: {  	s30 =	sadd.s32 s9, s28;
	s26 =	simm.s32 $0xF400;
	s6 =	sadd.s32 $0x1400, s24  }
0x14: {  	s8 =	sadd.s32 $0x2800, s30;
	s3 =	sadd.s32 $0x3C00, s30;
	s24 =	simm.s32 $0xD400  }
.LBB2_1:
0x15: {  	s0 =	simm.s32 @!p0 $0x1C05;
	s4 =	rddreg [dreg:$0x5]  }
0x16: {  	[spmem:s10], [sflag:s0] =	dma.local @!p0 [hbm:s4], $0x400  }
0x17: {  	s0 =	simm.s32 @!p0 $0x5  }
0x18: {  	_ =	swait.ge @!p0 [sflag:s0], $0x400  }
0x19: {  	[sflag:s0] =	ssyncset.done @!p0 $0x0  }
0x1a: {  	s4 =	rddreg [dreg:$0x6];
	[sflag:s0] =	ssyncadd.s32 @!p0 $0xFFFFFC00  }
0x1b: {  	[tilespmem:s11], [sflag:$0x5] =	stream.linear.gather [hbm4b:s4+s2], $0x3200, $0x38;
	[tilespmem:$0x17400] =	vst v63  }
0x1c: {  	_ =	swait.ge [sflag:s12], $0x3200  }
0x1d: {  	[sflag:s12] =	ssyncset.done $0x0  }
0x1e: {  	[sflag:s12] =	ssyncadd.s32 $0xFFFFCE00  }
0x1f: {  	[bflag:$0x0] =	sbarrier.arrive $0xFFFF  }
0x20: {  	[tilespmem:s14], [sflag:$0x1] =	stream.indirect.gather [spmem:s1], $0x40, s11, s13, $0xb8;
	[tilespmem:$0x17400] =	vst v63  }
0x21: {  	s5 =	simm.s32 $0x280  }
0x22: {  	[tilespmem:s16], [sflag:$0x1] =	stream.indirect.gather [spmem:s1], $0x40, s5, s13, $0xb8;
	[tilespmem:$0x17400] =	vst v63  }
0x23: {  	s9 =	simm.s32 $0x300  }
0x24: {  	[tilespmem:s18], [sflag:$0x1] =	stream.indirect.gather [spmem:s1], $0x40, s9, s13, $0xb8;
	[tilespmem:$0x17400] =	vst v63  }
0x25: {  	s4 =	simm.s32 $0x380  }
0x26: {  	[tilespmem:s20], [sflag:$0x1] =	stream.indirect.gather [spmem:s1], $0x40, s4, s13, $0xb8;
	[tilespmem:$0x17400] =	vst v63  }
0x27: {  	s5 =	simm.s32 $0x400  }
0x28: {  	[tilespmem:s22], [sflag:$0x1] =	stream.indirect.gather [spmem:s1], $0x40, s5, s13, $0xb8;
	[tilespmem:$0x17400] =	vst v63  }
0x29: {  	s9 =	simm.s32 $0x480  }
0x2a: {  	[tilespmem:s24], [sflag:$0x2] =	stream.indirect.gather [spmem:s1], $0x40, s9, s13, $0xb8;
	[tilespmem:$0x17400] =	vst v63  }
0x2b: {  	s4 =	simm.s32 $0x500  }
0x2c: {  	[tilespmem:s26], [sflag:$0x2] =	stream.indirect.gather [spmem:s1], $0x40, s4, s13, $0xb8;
	[tilespmem:$0x17400] =	vst v63  }
0x2d: {  	s5 =	simm.s32 $0x580  }
0x2e: {  	[tilespmem:s29], [sflag:$0x2] =	stream.indirect.gather [spmem:s1], $0x40, s5, s13, $0xb8;
	[tilespmem:$0x17400] =	vst v63  }
0x2f: {  	s9 =	simm.s32 $0x600  }
0x30: {  	[tilespmem:s31], [sflag:$0x2] =	stream.indirect.gather [spmem:s1], $0x40, s9, s13, $0xb8;
	[tilespmem:$0x17400] =	vst v63  }
0x31: {  	s4 =	simm.s32 $0x680  }
0x32: {  	[tilespmem:s15], [sflag:$0x2] =	stream.indirect.gather [spmem:s1], $0x40, s4, s13, $0xb8;
	[tilespmem:$0x17400] =	vst v63  }
0x33: {  	_ =	swait.ge [sflag:s17], $0x2000  }
0x34: {  	[sflag:s17] =	ssyncset.done $0x0  }
0x35: {  	[sflag:s17] =	ssyncadd.s32 $0xFFFFE000  }
0x36: {  	_ =	swait.ge [sflag:s17], $0x2000  }
0x37: {  	[sflag:s17] =	ssyncset.done $0x0  }
0x38: {  	[sflag:s17] =	ssyncadd.s32 $0xFFFFE000  }
0x39: {  	_ =	swait.ge [sflag:s17], $0x2000  }
0x3a: {  	[sflag:s17] =	ssyncset.done $0x0  }
0x3b: {  	[sflag:s17] =	ssyncadd.s32 $0xFFFFE000  }
0x3c: {  	_ =	swait.ge [sflag:s17], $0x2000  }
0x3d: {  	[sflag:s17] =	ssyncset.done $0x0  }
0x3e: {  	[sflag:s17] =	ssyncadd.s32 $0xFFFFE000  }
0x3f: {  	_ =	swait.ge [sflag:s17], $0x2000  }
0x40: {  	[sflag:s17] =	ssyncset.done $0x0  }
0x41: {  	s5 =	rddreg [dreg:$0x7];
	[sflag:s17] =	ssyncadd.s32 $0xFFFFE000  }
0x42: {  	[hbm4b:s5+s2] =	stream.linear.scatter [tilespmem:s14], [sflag:$0x3], $0xA000, $0x38;
	[tilespmem:$0x17400] =	vst v63  }
0x43: {  	_ =	swait.ge [sflag:s19], $0x2000  }
0x44: {  	[sflag:s19] =	ssyncset.done $0x0  }
0x45: {  	[sflag:s19] =	ssyncadd.s32 $0xFFFFE000  }
0x46: {  	_ =	swait.ge [sflag:s19], $0x2000  }
0x47: {  	[sflag:s19] =	ssyncset.done $0x0  }
0x48: {  	[sflag:s19] =	ssyncadd.s32 $0xFFFFE000  }
0x49: {  	_ =	swait.ge [sflag:s19], $0x2000  }
0x4a: {  	[sflag:s19] =	ssyncset.done $0x0  }
0x4b: {  	[sflag:s19] =	ssyncadd.s32 $0xFFFFE000  }
0x4c: {  	_ =	swait.ge [sflag:s19], $0x2000  }
0x4d: {  	[sflag:s19] =	ssyncset.done $0x0  }
0x4e: {  	[sflag:s19] =	ssyncadd.s32 $0xFFFFE000  }
0x4f: {  	_ =	swait.ge [sflag:s19], $0x2000  }
0x50: {  	[sflag:s19] =	ssyncset.done $0x0  }
0x51: {  	[sflag:s19] =	ssyncadd.s32 $0xFFFFE000  }
0x52: {  	[hbm4b:s6+s2] =	stream.linear.scatter [tilespmem:s24], [sflag:$0x4], $0xA000, $0x38;
	[tilespmem:$0x17400] =	vst v63  }
0x53: {  	_ =	swait.ge [sflag:s21], $0xA000  }
0x54: {  	[sflag:s21] =	ssyncset.done $0x0  }
0x55: {  	s9 =	simm.s32 $0x700;
	[sflag:s21] =	ssyncadd.s32 $0xFFFF6000  }
0x56: {  	[tilespmem:s14], [sflag:$0x1] =	stream.indirect.gather [spmem:s1], $0x40, s9, s13, $0xb8;
	[tilespmem:$0x17400] =	vst v63  }
0x57: {  	s4 =	simm.s32 $0x780  }
0x58: {  	[tilespmem:s16], [sflag:$0x1] =	stream.indirect.gather [spmem:s1], $0x40, s4, s13, $0xb8;
	[tilespmem:$0x17400] =	vst v63  }
0x59: {  	s5 =	simm.s32 $0x800  }
0x5a: {  	[tilespmem:s18], [sflag:$0x1] =	stream.indirect.gather [spmem:s1], $0x40, s5, s13, $0xb8;
	[tilespmem:$0x17400] =	vst v63  }
0x5b: {  	s9 =	simm.s32 $0x880  }
0x5c: {  	[tilespmem:s20], [sflag:$0x1] =	stream.indirect.gather [spmem:s1], $0x40, s9, s13, $0xb8;
	[tilespmem:$0x17400] =	vst v63  }
0x5d: {  	s4 =	simm.s32 $0x900  }
0x5e: {  	[tilespmem:s22], [sflag:$0x1] =	stream.indirect.gather [spmem:s1], $0x40, s4, s13, $0xb8;
	[tilespmem:$0x17400] =	vst v63  }
0x5f: {  	_ =	swait.ge [sflag:s23], $0xA000  }
0x60: {  	[sflag:s23] =	ssyncset.done $0x0  }
0x61: {  	s5 =	simm.s32 $0x980;
	[sflag:s23] =	ssyncadd.s32 $0xFFFF6000  }
0x62: {  	[tilespmem:s24], [sflag:$0x2] =	stream.indirect.gather [spmem:s1], $0x40, s5, s13, $0xb8;
	[tilespmem:$0x17400] =	vst v63  }
0x63: {  	s9 =	simm.s32 $0xA00  }
0x64: {  	[tilespmem:s26], [sflag:$0x2] =	stream.indirect.gather [spmem:s1], $0x40, s9, s13, $0xb8;
	[tilespmem:$0x17400] =	vst v63  }
0x65: {  	s4 =	simm.s32 $0xA80  }
0x66: {  	[tilespmem:s29], [sflag:$0x2] =	stream.indirect.gather [spmem:s1], $0x40, s4, s13, $0xb8;
	[tilespmem:$0x17400] =	vst v63  }
0x67: {  	s5 =	simm.s32 $0xB00  }
0x68: {  	[tilespmem:s31], [sflag:$0x2] =	stream.indirect.gather [spmem:s1], $0x40, s5, s13, $0xb8;
	[tilespmem:$0x17400] =	vst v63  }
0x69: {  	s9 =	simm.s32 $0xB80  }
0x6a: {  	[tilespmem:s15], [sflag:$0x2] =	stream.indirect.gather [spmem:s1], $0x40, s9, s13, $0xb8;
	[tilespmem:$0x17400] =	vst v63  }
0x6b: {  	_ =	swait.ge [sflag:s17], $0x2000  }
0x6c: {  	[sflag:s17] =	ssyncset.done $0x0  }
0x6d: {  	[sflag:s17] =	ssyncadd.s32 $0xFFFFE000  }
0x6e: {  	_ =	swait.ge [sflag:s17], $0x2000  }
0x6f: {  	[sflag:s17] =	ssyncset.done $0x0  }
0x70: {  	[sflag:s17] =	ssyncadd.s32 $0xFFFFE000  }
0x71: {  	_ =	swait.ge [sflag:s17], $0x2000  }
0x72: {  	[sflag:s17] =	ssyncset.done $0x0  }
0x73: {  	[sflag:s17] =	ssyncadd.s32 $0xFFFFE000  }
0x74: {  	_ =	swait.ge [sflag:s17], $0x2000  }
0x75: {  	[sflag:s17] =	ssyncset.done $0x0  }
0x76: {  	[sflag:s17] =	ssyncadd.s32 $0xFFFFE000  }
0x77: {  	_ =	swait.ge [sflag:s17], $0x2000  }
0x78: {  	[sflag:s17] =	ssyncset.done $0x0  }
0x79: {  	[sflag:s17] =	ssyncadd.s32 $0xFFFFE000  }
0x7a: {  	[hbm4b:s8+s2] =	stream.linear.scatter [tilespmem:s14], [sflag:$0x3], $0xA000, $0x38;
	[tilespmem:$0x17400] =	vst v63  }
0x7b: {  	_ =	swait.ge [sflag:s19], $0x2000  }
0x7c: {  	[sflag:s19] =	ssyncset.done $0x0  }
0x7d: {  	[sflag:s19] =	ssyncadd.s32 $0xFFFFE000  }
0x7e: {  	_ =	swait.ge [sflag:s19], $0x2000  }
0x7f: {  	[sflag:s19] =	ssyncset.done $0x0  }
0x80: {  	[sflag:s19] =	ssyncadd.s32 $0xFFFFE000  }
0x81: {  	_ =	swait.ge [sflag:s19], $0x2000  }
0x82: {  	[sflag:s19] =	ssyncset.done $0x0  }
0x83: {  	[sflag:s19] =	ssyncadd.s32 $0xFFFFE000  }
0x84: {  	_ =	swait.ge [sflag:s19], $0x2000  }
0x85: {  	[sflag:s19] =	ssyncset.done $0x0  }
0x86: {  	[sflag:s19] =	ssyncadd.s32 $0xFFFFE000  }
0x87: {  	_ =	swait.ge [sflag:s19], $0x2000  }
0x88: {  	s28 =	simm.s32 $0x1400;
	s30 =	sadd.s32 $0x2800, s8;
	[sflag:s19] =	ssyncset.done $0x0  }
0x89: {  	s0 =	sadd.s32 $0x2800, s3;
	s9 =	smov.u32 s3;
	[sflag:s19] =	ssyncadd.s32 $0xFFFFE000  }
.LBB2_2:
0x8a: {  	[hbm4b:s9+s2] =	stream.linear.scatter [tilespmem:s24], [sflag:$0x4], $0xA000, $0x38;
	[tilespmem:$0x17400] =	vst v63  }
0x8b: {  	s4 =	smov.u32 s28;
	s9 =	smov.u32 s0  }
0x8c: {  	p1 =	sne.s32 s28, $0xA000;
	s28 =	sadd.s32 $0x1400, s28;
	_ =	swait.ge [sflag:s21], $0xA000  }
0x8d: {  	s4 =	sshra.s32 s4, $0x2;
	[sflag:s21] =	ssyncset.done $0x0  }
0x8e: {  	s5 =	sadd.s32 $0x700, s4;
	[sflag:s21] =	ssyncadd.s32 $0xFFFF6000  }
0x8f: {  	[tilespmem:s14], [sflag:$0x1] =	stream.indirect.gather [spmem:s1], $0x40, s5, s13, $0xb8;
	[tilespmem:$0x17400] =	vst v63  }
0x90: {  	s5 =	sadd.s32 $0x780, s4  }
0x91: {  	[tilespmem:s16], [sflag:$0x1] =	stream.indirect.gather [spmem:s1], $0x40, s5, s13, $0xb8;
	[tilespmem:$0x17400] =	vst v63  }
0x92: {  	s5 =	sadd.s32 $0x800, s4  }
0x93: {  	[tilespmem:s18], [sflag:$0x1] =	stream.indirect.gather [spmem:s1], $0x40, s5, s13, $0xb8;
	[tilespmem:$0x17400] =	vst v63  }
0x94: {  	s5 =	sadd.s32 $0x880, s4  }
0x95: {  	[tilespmem:s20], [sflag:$0x1] =	stream.indirect.gather [spmem:s1], $0x40, s5, s13, $0xb8;
	[tilespmem:$0x17400] =	vst v63  }
0x96: {  	s5 =	sadd.s32 $0x900, s4  }
0x97: {  	[tilespmem:s22], [sflag:$0x1] =	stream.indirect.gather [spmem:s1], $0x40, s5, s13, $0xb8;
	[tilespmem:$0x17400] =	vst v63  }
0x98: {  	_ =	swait.ge [sflag:s23], $0xA000  }
0x99: {  	[sflag:s23] =	ssyncset.done $0x0  }
0x9a: {  	s5 =	sadd.s32 $0x980, s4;
	[sflag:s23] =	ssyncadd.s32 $0xFFFF6000  }
0x9b: {  	[tilespmem:s24], [sflag:$0x2] =	stream.indirect.gather [spmem:s1], $0x40, s5, s13, $0xb8;
	[tilespmem:$0x17400] =	vst v63  }
0x9c: {  	s5 =	sadd.s32 $0xA00, s4  }
0x9d: {  	[tilespmem:s26], [sflag:$0x2] =	stream.indirect.gather [spmem:s1], $0x40, s5, s13, $0xb8;
	[tilespmem:$0x17400] =	vst v63  }
0x9e: {  	s5 =	sadd.s32 $0xA80, s4  }
0x9f: {  	[tilespmem:s29], [sflag:$0x2] =	stream.indirect.gather [spmem:s1], $0x40, s5, s13, $0xb8;
	[tilespmem:$0x17400] =	vst v63  }
0xa0: {  	s5 =	sadd.s32 $0xB00, s4  }
0xa1: {  	[tilespmem:s31], [sflag:$0x2] =	stream.indirect.gather [spmem:s1], $0x40, s5, s13, $0xb8;
	[tilespmem:$0x17400] =	vst v63  }
0xa2: {  	s4 =	sadd.s32 $0xB80, s4  }
0xa3: {  	[tilespmem:s15], [sflag:$0x2] =	stream.indirect.gather [spmem:s1], $0x40, s4, s13, $0xb8;
	[tilespmem:$0x17400] =	vst v63  }
0xa4: {  	_ =	swait.ge [sflag:s17], $0x2000  }
0xa5: {  	[sflag:s17] =	ssyncset.done $0x0  }
0xa6: {  	[sflag:s17] =	ssyncadd.s32 $0xFFFFE000  }
0xa7: {  	_ =	swait.ge [sflag:s17], $0x2000  }
0xa8: {  	[sflag:s17] =	ssyncset.done $0x0  }
0xa9: {  	[sflag:s17] =	ssyncadd.s32 $0xFFFFE000  }
0xaa: {  	_ =	swait.ge [sflag:s17], $0x2000  }
0xab: {  	[sflag:s17] =	ssyncset.done $0x0  }
0xac: {  	[sflag:s17] =	ssyncadd.s32 $0xFFFFE000  }
0xad: {  	_ =	swait.ge [sflag:s17], $0x2000  }
0xae: {  	[sflag:s17] =	ssyncset.done $0x0  }
0xaf: {  	[sflag:s17] =	ssyncadd.s32 $0xFFFFE000  }
0xb0: {  	_ =	swait.ge [sflag:s17], $0x2000  }
0xb1: {  	[sflag:s17] =	ssyncset.done $0x0  }
0xb2: {  	[sflag:s17] =	ssyncadd.s32 $0xFFFFE000  }
0xb3: {  	[hbm4b:s30+s2] =	stream.linear.scatter [tilespmem:s14], [sflag:$0x3], $0xA000, $0x38;
	[tilespmem:$0x17400] =	vst v63  }
0xb4: {  	_ =	swait.ge [sflag:s19], $0x2000  }
0xb5: {  	[sflag:s19] =	ssyncset.done $0x0  }
0xb6: {  	[sflag:s19] =	ssyncadd.s32 $0xFFFFE000  }
0xb7: {  	_ =	swait.ge [sflag:s19], $0x2000  }
0xb8: {  	[sflag:s19] =	ssyncset.done $0x0  }
0xb9: {  	[sflag:s19] =	ssyncadd.s32 $0xFFFFE000  }
0xba: {  	_ =	swait.ge [sflag:s19], $0x2000  }
0xbb: {  	[sflag:s19] =	ssyncset.done $0x0  }
0xbc: {  	[sflag:s19] =	ssyncadd.s32 $0xFFFFE000  }
0xbd: {  	_ =	swait.ge [sflag:s19], $0x2000  }
.Ltmp0:
0xbe: {  	[sflag:s19] =	ssyncset.done $0x0;
	(pc) =	sbr.rel @p1 .LBB2_2-.Ltmp0, $4  }
0xbf: {  	[sflag:s19] =	ssyncadd.s32 $0xFFFFE000  }
0xc0: {  	_ =	swait.ge [sflag:s19], $0x2000  }
0xc1: {  	[sflag:s19] =	ssyncset.done $0x0  }
0xc2: {  	s0 =	sadd.s32 $0x2800, s0;
	s30 =	sadd.s32 $0x2800, s30;
	[sflag:s19] =	ssyncadd.s32 $0xFFFFE000  }
0xc3: {  	[hbm4b:s9+s2] =	stream.linear.scatter [tilespmem:s24], [sflag:$0x4], $0xA000, $0x38;
	[tilespmem:$0x17400] =	vst v63  }
0xc4: {  	s25 =	sadd.s32 $0x1, s25  }
0xc5: {  	_ =	swait.ge [sflag:s21], $0xA000;
	p1 =	sne.s32 s25, s7  }
.Ltmp1:
0xc6: {  	[sflag:s21] =	ssyncset.done $0x0;
	(pc) =	sbr.rel @p1 .LBB2_1-.Ltmp1, $4  }
0xc7: {  	[sflag:s21] =	ssyncadd.s32 $0xFFFF6000  }
0xc8: {  	_ =	swait.ge [sflag:s23], $0xA000  }
0xc9: {  	[sflag:s23] =	ssyncset.done $0x0  }
0xca: {  	[sflag:s23] =	ssyncadd.s32 $0xFFFF6000  }
0xcb: {  	_ =	sfence.sel $0x180000  }
0xcc: {  	[bflag:$0x0] =	sbarrier.arrive $0xFFFF  }
0xcd: {  	_ =	strace $0x90000047  }
0xce: {  	[bflag:$0x2] =	sbarrier.arrive $0xFFFF  }
0xcf: {  	s0 =	rddreg [dreg:$0x4]  }
0xd0: {  	s0 =	sadd.s32 @!p0 $0x100000, s0  }
0xd1: {  	[sflag:s0] =	ssyncadd.tile.s32 @!p0 $0x1;
	_ =	shalt  }
.Lfunc_end2:
_tile_overlayer_lowered:
.L_overlay_start_2:
0xd2: {  	(tag) =	ssettag $0x2  }
0xd3: {  	s0 =	rddreg [dreg:$0x0];
	s2 =	stileid.u32  }
0xd4: {  	s1 =	rddreg [dreg:$0x1];
	p0 =	sne.s32 s2, $0x0  }
0xd5: {  	s3 =	rddreg [dreg:$0x2];
	[bflag:$0x3] =	sbarrier.arrive $0xFFFF;
	s2 =	simm.s32 @!p0 $0x1C05  }
0xd6: {  	[timem:s3], [sflag:s2] =	dma.local @!p0 [hbm:s0], s1  }
0xd7: {  	s0 =	simm.s32 @!p0 $0x5  }
0xd8: {  	_ =	swait.ge @!p0 [sflag:s0], s1  }
0xd9: {  	s1 =	ssub.s32 @!p0 $0x0, s1;
	[sflag:s0] =	ssyncset.done @!p0 $0x0  }
0xda: {  	[sflag:s0] =	ssyncadd.s32 @!p0 s1  }
0xdb: {  	[bflag:$0x3] =	sbarrier.arrive $0xFFFF  }
0xdc: {  	_ =	shalt  }

// kernel: sparse-core-data-format-call.cloned.1.call-start
scs
called_computation_lowered:
.L_overlay_start_0:
0x0: {  	s2 =	sld [smem:$0x3FD9]  }
0x1: {  	s3 =	sld [smem:$0x3FFE];
	_ =	sdelay $0x1  }
0x2: {  	s1 =	srdreg.scid  }
0x3: {  	s0 =	sand.u32 $0x1, s1  }
0x4: {  	s18 =	sshll.u32 s0, $0xA;
	s2 =	sadd.s32 s3, s2  }
0x5: {  	s2 =	sadd.s32 s2, s18  }
0x6: {  	[smem:$0x3FC6] =	sst s2  }
0x7: {  	_ = 	snop  }
0x8: {  	s2 =	sld [smem:$0x3FD0];
	(tm) =	ssettm $0x1  }
0x9: {  	s19 =	sld [smem:$0x3FFB];
	_ =	sdelay $0x3  }
0xa: {  	_ =	strace s19  }
0xb: {  	s3 =	sld [smem:$0x3FFC];
	_ =	sdelay $0x3  }
0xc: {  	_ =	strace s3  }
0xd: {  	s3 =	sld [smem:$0x3FFD];
	_ =	sdelay $0x3  }
0xe: {  	_ =	strace s3  }
0xf: {  	_ =	strace $0x8FFFFFFF  }
0x10: {  	s20 =	sld [smem:$0x3FDB];
	_ =	sdelay $0x1  }
0x11: {  	s4 =	simm.s32 $_scs_section_size  }
0x12: {  	s5 =	simm.s32 $_size__tile_overlayer_lowered;
	s6 =	simm.s32 $_tile_overlayer_lowered  }
0x13: {  	s23 =	simm.s32 $0x1BFF;
	s22 =	sshll.u32 s6, $0x1;
	s3 =	sadd.s32 s4, s20  }
0x14: {  	s7 =	simm.s32 $0x0;
	s21 =	sshll.u32 s5, $0x1;
	s5 =	sadd.s32 s22, s3  }
0x15: {  	[timem:s7], [sflag:s23] =	dma.local [hbm:s5], s21  }
0x16: {  	_ =	swait.ge [sflag:s23], s21  }
0x17: {  	s4 =	ssub.s32 $0x0, s21;
	[sflag:s23] =	ssyncset.done $0x0  }
0x18: {  	[sflag:s23] =	ssyncadd.s32 s4;
	_ =	sdelay $0x1  }
0x19: {  	s24 =	simm.s32 $0x1B8B  }
0x1a: {  	_ =	swait.ge [sflag:s24], $0x1  }
0x1b: {  	[sflag:s24] =	ssyncset.done $0x0  }
0x1c: {  	s26 =	simm.s32 $0x1B8E;
	s25 =	sld [smem:$0x3FFE];
	[sflag:s24] =	ssyncadd.s32 $0xFFFFFFFF  }
0x1d: {  	s27 =	simm.s32 $execute0_lowered;
	[smem:$0x3FD2] =	sst s26  }
0x1e: {  	s5 =	sshll.u32 s27, $0x1;
	_ =	strace $0x80000049;
	[dreg:$0x1] =	wrdreg $0xFFFFFFFF  }
0x1f: {  	s28 =	simm.s32 $_size_execute0_lowered;
	s3 =	sadd.s32 s3, s5;
	[dreg:$0x0] =	wrdreg $0x0  }
0x20: {  	s5 =	sshll.u32 s28, $0x1;
	[dreg:$0x2] =	wrdreg s3  }
0x21: {  	[dreg:$0x3] =	wrdreg s5  }
0x22: {  	[dreg:$0x4] =	wrdreg $0xC0  }
0x23: {  	_ =	task [dreg:s7], $0x5FFFF  }
0x24: {  	[dreg:$0x1] =	wrdreg $0xFFFFFFFF  }
0x25: {  	[dreg:$0x0] =	wrdreg $0x60  }
0x26: {  	[dreg:$0x2] =	wrdreg s25  }
0x27: {  	[dreg:$0x3] =	wrdreg s2  }
0x28: {  	[dreg:$0x4] =	wrdreg $0x9  }
0x29: {  	_ =	task.clear_ibuf [dreg:s7], $0x5FFFF;
	_ =	strace $0x90000049  }
0x2a: {  	s29 =	simm.s32 $0x9;
	_ =	strace $0x8000004B  }
0x2b: {  	_ =	swait.ge [sflag:s29], $0x1  }
0x2c: {  	[sflag:s29] =	ssyncadd.s32 $0xFFFFFFFF  }
0x2d: {  	_ =	strace $0x9000004B  }
0x2e: {  	_ =	sfence  }
0x2f: {  	s30 =	sld [smem:$0x0];
	_ =	sdelay $0x2  }
0x30: {  	s31 =	sshll.u32 s1, $0xD;
	s1 =	sshrl.u32 s1, $0x2  }
0x31: {  	s3 =	sand.u32 $0x4000, s31;
	s1 =	sadd.s32 s1, s30  }
0x32: {  	s0 =	sor.u32 s3, s0;
	s1 =	sshll.u32 s1, $0x11  }
0x33: {  	s0 =	sor.u32 s1, s0  }
0x34: {  	s0 =	sadd.s32 $0x8F2B, s0  }
0x35: {  	[sflag:s0] =	ssyncadd.remote.s32 $0x1  }
0x36: {  	_ =	sfence.sel $0xFFFF  }
0x37: {  	[dreg:$0x0] =	wrdreg $0xFFFFFFFF;
	(pc) =	sbr.abs _section_cstart, $3  }
0x38: {  	[dreg:$0x1] =	wrdreg $0xFFFFFFFF  }
0x39: {  	_ =	task.clear_ibuf [dreg:s7], $0x2FFFF;
	_ =	strace $0x9FFFFFFF  }
0x3a: {  	(tm) =	ssettm $0x7FFFFFFF  }
0x3b: {  	_ =	shalt  }
tec
execute0_lowered:
.L_overlay_start_1:
0x0: {  	(tag) =	ssettag $0x1  }
0x1: {  	s0 =	srdreg.scid  }
0x2: {  	s1 =	sshll.u32 s0, $0x4  }
0x3: {  	s4 =	rddreg [dreg:$0x0];
	s0 =	stileid.u32;
	s1 =	sand.u32 $0x10, s1  }
0x4: {  	s2 =	rddreg [dreg:$0x1];
	s7 =	simm.s32 $0x1;
	s1 =	sor.u32 s0, s1  }
0x5: {  	s8 =	simm.s32 $0x2;
	s11 =	simm.s32 $0x0;
	s3 =	sshll.u32 s1, $0x7  }
0x6: {  	s10 =	simm.s32 $0x0;
	s4 =	sadd.s32 $0x800, s4;
	s6 =	ssub.s32 $0x64000, s3  }
.Ltmp0:
0x7: {  	s1 =	rddreg [dreg:$0x2];
	s5 =	sand.u32 $0xF80, s6;
	(pc) =	sbr.rel .LBB1_1-.Ltmp0, $4  }
0x8: {  	_ =	strace $0x8000004A;
	s9 =	smov.u32 s3;
	p0 =	sne.s32 s5, $0x0  }
0x9: {  	s6 =	sshrl.u32 s6, $0xC;
	s5 =	simm.s32 $0x1;
	s7 =	simm.s32 @!p0 $0x0  }
0xa: {  	[sflag:s5] =	ssyncpa.u1 $0x0;
	p0 =	por $0x0, $0x0;
	s6 =	sadd.s32 s7, s6  }
0xb: {  	[sflag:s8] =	ssyncpa.u1 $0x0;
	s8 =	simm.s32 $0x320000;
	s7 =	sadd.s32 $0x1, s6  }
.LBB1_4:
0xc: {  	s14 =	sshll.u32 s11, $0x3  }
0xd: {  	s30 =	sand.u32 $0x7F, s11;
	s15 =	sand.u32 $0xFFFFFC00, s14  }
0xe: {  	s11 =	sor.u32 s30, s15  }
0xf: {  	s15 =	smulhi.u32 $0x51EB851F, s11  }
0x10: {  	s14 =	smulhi.u32 $0x51EB851F, s14  }
0x11: {  	s15 =	sshrl.u32 s15, $0x11  }
0x12: {  	s14 =	sshrl.u32 s14, $0x11;
	s15 =	smul.u32 $0x64000, s15  }
0x13: {  	s14 =	sand.u32 $0x3F, s14  }
0x14: {  	s14 =	smul.u32 $0xC800, s14;
	s11 =	ssub.s32 s11, s15  }
0x15: {  	[tilespmem:s13+$0x810 ss:$0x81] =	vst.msk $0xffff, v2;
	s15 =	sand.u32 $0x7, s11  }
0x16: {  	[tilespmem:s13+$0x1020 ss:$0x81] =	vst.msk $0xffff, v0;
	s14 =	sadd.s32 s2, s14;
	s11 =	sshrl.u32 s11, $0x3;
	s15 =	sshll.u32 s15, $0x12  }
0x17: {  	[tilespmem:s13+$0x0 ss:$0x81] =	vst.msk $0xffff, v1;
	s11 =	sadd.s32 s11, s14;
	s31 =	sor.u32 $0x400, s15  }
0x18: {  	[hbm4b:s11+s31] =	stream.strided.scatter [tilespmem:s12], [sflag:$0x2], $0x2000, s8, s31, $0x20;
	[tilespmem:$0x8080] =	vst v63  }
.LBB1_5:
0x19: {  	s13 =	sadd.s32 $0x1000, s9  }
0x1a: {  	p2 =	sgt.s32 s13, $0x63FFF  }
0x1b: {  	s13 =	smov.u32 @p2 s3;
	p2 =	sne.s32 s10, s7  }
.Ltmp1:
0x1c: {  	p1 =	slt.u32 s10, $0x2;
	(pc) =	sbr.rel @!p2 .LBB1_6-.Ltmp1, $4  }
0x1d: {  	s12 =	simm.s32 @!p1 $0x2  }
0x1e: {  	s14 =	sadd.s32 $0x1, s10;
	_ =	swait.ge @!p1 [sflag:s12], $0x2000  }
0x1f: {  	s11 =	smov.u32 s9;
	p0 =	por !p0, !p0;
	[sflag:s12] =	ssyncset.done @!p1 $0x0  }
0x20: {  	s10 =	smov.u32 s14;
	s9 =	smov.u32 s13;
	[sflag:s12] =	ssyncadd.s32 @!p1 $0xFFFFE000  }
.LBB1_1:
0x21: {  	p1 =	sge.u32 s10, s6  }
0x22: {  	s12 =	sand.u32 @!p1 $0x1FFFFFF, s9  }
0x23: {  	s13 =	smulhi.u32 @!p1 $0x147AE15, s12;
	_ =	sdelay $0x1  }
0x24: {  	s13 =	sshrl.u32 @!p1 s13, $0xB  }
0x25: {  	s13 =	smul.u32 @!p1 $0x64000, s13;
	_ =	sdelay $0x1  }
0x26: {  	s31 =	sadd.s32 $0xFFFFFFFF, s10;
	s14 =	sxor.u32 @!p1 $0xFFFFFFFF, s10;
	s12 =	ssub.s32 @!p1 s12, s13  }
0x27: {  	s15 =	simm.s32 @!p1 $0x80;
	s14 =	sshll.u32 @!p1 s14, $0xD;
	s12 =	sshll.u32 @!p1 s12, $0x4  }
0x28: {  	s13 =	sand.u32 @!p1 $0x2000, s14;
	s14 =	simm.s32 @!p1 $0x40;
	s12 =	sadd.s32 @!p1 s4, s12  }
0x29: {  	[tilespmem:s13], [sflag:$0x1] =	stream.strided.gather @!p1 [hbm4b:s12+s14], $0x2000, s15, s14, $0x38;
	[tilespmem:$0x8080] =	vst v63  }
0x2a: {  	p1 =	sge.u32 s31, s6  }
.Ltmp2:
0x2b: {  	_ = 	snop;
	(pc) =	sbr.rel @p1 .LBB1_5-.Ltmp2, $1  }
0x2c: {  	_ =	sdelay $0x3  }
0x2d: {  	s12 =	simm.s32 $0x1  }
0x2e: {  	_ =	swait.ge [sflag:s5], $0x2000;
	s12 =	simm.s32 @!p0 $0x0  }
0x2f: {  	[sflag:s5] =	ssyncset.done $0x0;
	s13 =	sshll.u32 s12, $0xD  }
0x30: {  	[sflag:s5] =	ssyncadd.s32 $0xFFFFE000;
	s16 =	sor.u32 $0x20, s13  }
0x31: {  	s12 =	smul.u32 $0x8100, s12;
	v3 =	vld [tilespmem:s16+$0x10]  }
0x32: {  	s30 =	sand.u32 $0x1, s10;
	v2 =	vld [tilespmem:s16+$0xFFFFFFF0]  }
0x33: {  	s13 =	smul.u32 $0x8100, s30;
	s12 =	sshrl.u32 s12, $0x2;
	v0 =	vld [tilespmem:s16+$0x0]  }
0x34: {  	v1 =	vld [tilespmem:s16+$0xFFFFFFE0];
	s14 =	sor.u32 $0x4000, s12  }
0x35: {  	s31 =	sshrl.u32 s13, $0x2;
	s13 =	sadd.s32 $0x0, s14  }
0x36: {  	s15 =	simm.s32 $0x4;
	s16 =	sadd.s32 $0x40, s16;
	s12 =	sor.u32 $0x4000, s31;
	[tilespmem:s13+$0x1830 ss:$0x81] =	vst.msk $0xffff, v3  }
.LBB1_3:
0x37: {  	v3 =	vld [tilespmem:s16+$0x10];
	p1 =	sne.s32 s15, $0x1FC;
	[tilespmem:s13+$0x810 ss:$0x81] =	vst.msk $0xffff, v2;
	s17 =	smov.u32 s15;
	s15 =	sadd.s32 $0x4, s15  }
.Ltmp3:
0x38: {  	v2 =	vld [tilespmem:s16+$0xFFFFFFF0];
	[tilespmem:s13+$0x1020 ss:$0x81] =	vst.msk $0xffff, v0;
	(pc) =	sbr.rel @p1 .LBB1_3-.Ltmp3, $4  }
0x39: {  	v0 =	vld [tilespmem:s16+$0x0];
	[tilespmem:s13+$0x0 ss:$0x81] =	vst.msk $0xffff, v1  }
0x3a: {  	s13 =	sshra.s32 s17, $0x2;
	v1 =	vld [tilespmem:s16+$0xFFFFFFE0]  }
0x3b: {  	s13 =	sadd.s32 s13, s14  }
0x3c: {  	s16 =	sadd.s32 $0x40, s16;
	[tilespmem:s13+$0x1830 ss:$0x81] =	vst.msk $0xffff, v3  }
.Ltmp4:
0x3d: {  	_ = 	snop;
	(pc) =	sbr.rel .LBB1_4-.Ltmp4, $1  }
0x3e: {  	_ =	sdelay $0x3  }
.LBB1_6:
0x3f: {  	_ =	sfence.sel $0x180000  }
0x40: {  	s2 =	simm.s32 $0x1;
	[bflag:$0x0] =	sbarrier.arrive $0xFFFF  }
0x41: {  	s31 =	simm.s32 $0x2;
	[sflag:s2] =	ssyncpa.u1 $0x1  }
0x42: {  	[sflag:s31] =	ssyncpa.u1 $0x1  }
0x43: {  	p0 =	sne.s32 s0, $0x0;
	_ =	strace $0x9000004A  }
0x44: {  	s0 =	sadd.s32 @!p0 $0x100000, s1;
	[bflag:$0x2] =	sbarrier.arrive $0xFFFF  }
0x45: {  	[sflag:s0] =	ssyncadd.tile.s32 @!p0 $0x1;
	_ =	shalt  }
.Lfunc_end1:
_tile_overlayer_lowered:
.L_overlay_start_2:
0x46: {  	(tag) =	ssettag $0x2  }
0x47: {  	s0 =	rddreg [dreg:$0x0];
	s2 =	stileid.u32  }
0x48: {  	s1 =	rddreg [dreg:$0x1];
	p0 =	sne.s32 s2, $0x0  }
0x49: {  	s3 =	rddreg [dreg:$0x2];
	[bflag:$0x3] =	sbarrier.arrive $0xFFFF;
	s2 =	simm.s32 @!p0 $0x1C01  }
0x4a: {  	[timem:s3], [sflag:s2] =	dma.local @!p0 [hbm:s0], s1  }
0x4b: {  	s0 =	simm.s32 @!p0 $0x1  }
0x4c: {  	_ =	swait.ge @!p0 [sflag:s0], s1  }
0x4d: {  	s1 =	ssub.s32 @!p0 $0x0, s1;
	[sflag:s0] =	ssyncset.done @!p0 $0x0  }
0x4e: {  	[sflag:s0] =	ssyncadd.s32 @!p0 s1  }
0x4f: {  	[bflag:$0x3] =	sbarrier.arrive $0xFFFF  }
0x50: {  	_ =	shalt  }

</sc_bundles>
